<compile_context>
chip_gen: v7x
topology: tpu7x:2x2x1
jax: 0.10.2.dev20260603
libtpu: 0.0.44.dev20260713+nightly
codegen_flags: <defaults>
</compile_context>

<pallas_src>
import functools

import jax
import jax.numpy as jnp
from jax import lax
from jax.experimental import pallas as pl
from jax.experimental.pallas import tpu as pltpu
from jax.experimental.pallas import tpu_sc as plsc

N_EXPERTS = 64
TOPK = 8
BLOCK_TOK = 1024

NC = 2
NS = 16
NW = NC * NS
SUB = 512


def _gate_block(w_ref, b_ref, x_ref, out_ref):
    logits = (
        jax.lax.dot_general(
            w_ref[:],
            x_ref[:],
            (((1,), (1,)), ((), ())),
            preferred_element_type=jnp.float32,
        )
        + b_ref[:]
    )
    out_ref[:] = logits.T


def _gate_logits(x, W, b):
    n_tokens = x.shape[0]
    d_model = x.shape[1]
    b2 = b.reshape(N_EXPERTS, 1)
    grid = (n_tokens // BLOCK_TOK,)
    return pl.pallas_call(
        _gate_block,
        grid=grid,
        in_specs=[
            pl.BlockSpec((N_EXPERTS, d_model), lambda i: (0, 0)),
            pl.BlockSpec((N_EXPERTS, 1), lambda i: (0, 0)),
            pl.BlockSpec((BLOCK_TOK, d_model), lambda i: (i, 0)),
        ],
        out_specs=pl.BlockSpec((BLOCK_TOK, N_EXPERTS), lambda i: (i, 0)),
        out_shape=jax.ShapeDtypeStruct((n_tokens, N_EXPERTS), jnp.float32),
    )(W, b2, x)


def _merge_top8(ak, av, bk, bv, lo8):
    ck = jnp.where(lo8, ak, lax.rev(bk, (0,)))
    cv = jnp.where(lo8, av, lax.rev(bv, (0,)))
    return plsc.sort_key_val(ck, cv, descending=True)


def _sc_router(logits_flat, n_tokens):
    tpw = n_tokens // NW
    sub = min(SUB, tpw)
    mesh = plsc.VectorSubcoreMesh(
        core_axis_name="c", subcore_axis_name="s", num_cores=NC, num_subcores=NS
    )

    @functools.partial(
        pl.kernel,
        out_type=[
            jax.ShapeDtypeStruct((n_tokens * N_EXPERTS,), jnp.float32),
            jax.ShapeDtypeStruct((n_tokens * 16,), jnp.int32),
        ],
        mesh=mesh,
        scratch_types=[
            pltpu.VMEM((sub * N_EXPERTS,), jnp.float32),
            pltpu.VMEM((sub * N_EXPERTS,), jnp.float32),
            pltpu.VMEM((sub * 16,), jnp.int32),
        ],
        compiler_params=pltpu.CompilerParams(needs_layout_passes=False),
    )
    def sc_kernel(logits_hbm, probs_hbm, idx_hbm, lchunk, pout, iout):
        wid = lax.axis_index("s") * NC + lax.axis_index("c")
        iota = lax.iota(jnp.int32, 16)
        lo8 = iota < 8
        zeros = jnp.zeros((16,), jnp.float32)

        @pl.loop(0, tpw // sub)
        def _chunk(ci):
            base = wid * tpw + ci * sub

            pltpu.sync_copy(
                logits_hbm.at[pl.ds(base * N_EXPERTS, sub * N_EXPERTS)], lchunk
            )

            @plsc.parallel_loop(0, sub, unroll=4)
            def _tok(t):
                o = t * N_EXPERTS
                k0 = lchunk[pl.ds(o, 16)]
                k1 = lchunk[pl.ds(o + 16, 16)]
                k2 = lchunk[pl.ds(o + 32, 16)]
                k3 = lchunk[pl.ds(o + 48, 16)]
                a0k, a0v = plsc.sort_key_val(k0, iota, descending=True)
                a1k, a1v = plsc.sort_key_val(k1, iota + 16, descending=True)
                a2k, a2v = plsc.sort_key_val(k2, iota + 32, descending=True)
                a3k, a3v = plsc.sort_key_val(k3, iota + 48, descending=True)
                s1k, s1v = _merge_top8(a0k, a0v, a1k, a1v, lo8)
                s2k, s2v = _merge_top8(a2k, a2v, a3k, a3v, lo8)
                s3k, s3v = _merge_top8(s1k, s1v, s2k, s2v, lo8)
                m = jnp.max(s3k)
                e = jnp.where(lo8, jnp.exp(s3k - m), 0.0)
                p = e / jnp.sum(e)
                pout[pl.ds(o, 16)] = zeros
                pout[pl.ds(o + 16, 16)] = zeros
                pout[pl.ds(o + 32, 16)] = zeros
                pout[pl.ds(o + 48, 16)] = zeros
                plsc.store_scatter(pout, [o + s3v], p, mask=lo8)
                iout[pl.ds(t * 16, 16)] = s3v

            pltpu.sync_copy(
                pout, probs_hbm.at[pl.ds(base * N_EXPERTS, sub * N_EXPERTS)]
            )
            pltpu.sync_copy(iout, idx_hbm.at[pl.ds(base * 16, sub * 16)])

    return sc_kernel(logits_flat)


@jax.jit
def kernel(x, W, b):
    n_tokens = x.shape[0]
    logits = _gate_logits(x, W, b)
    probs_flat, idx_flat = _sc_router(logits.reshape(-1), n_tokens)
    probs = probs_flat.reshape(n_tokens, N_EXPERTS)
    idx = idx_flat.reshape(n_tokens, 16)[:, :TOPK]
    return (probs, idx)

# --- scband reference (transcript-rebuilt; emitter-appended) ---
"""Pipeline reference for scband-topk-router-63161789054986 (READ-ONLY COPY).

The authoritative reference and input builder live on the scoring server;
editing this copy changes nothing except your own understanding.
"""

import jax, jax.numpy as jnp
import numpy as np

D_MODEL = 4096
N_EXPERTS = 64
TOPK = 8
N_TOKENS = 32768

def setup_inputs(seed: int = 0) -> dict:
    key = jax.random.key(seed)
    k1, k2, k3 = jax.random.split(key, 3)
    x = jax.random.normal(k1, (N_TOKENS, D_MODEL), dtype=jnp.float32)
    # nn.Linear(d_model, n_experts): weight [n_experts, d_model], bias [n_experts]
    bound = 1.0 / np.sqrt(D_MODEL)
    W = jax.random.uniform(k2, (N_EXPERTS, D_MODEL), dtype=jnp.float32, minval=-bound, maxval=bound)
    b = jax.random.uniform(k3, (N_EXPERTS,), dtype=jnp.float32, minval=-bound, maxval=bound)
    return {"x": x, "W": W, "b": b}

def reference(x, W, b):
    # logits = self.gate(x)
    logits = x @ W.T + b
    # topk_logits, topk_indices = logits.topk(self.topk, dim=-1)
    topk_logits, topk_indices = jax.lax.top_k(logits, TOPK)
    # zeros = full_like(logits, -inf); sparse_logits = zeros.scatter(-1, topk_indices, topk_logits)
    neg_inf = jnp.full_like(logits, -jnp.inf)
    rows = jnp.arange(logits.shape[0])[:, None]
    sparse_logits = neg_inf.at[rows, topk_indices].set(topk_logits)
    # output = softmax(sparse_logits, dim=-1)
    output = jax.nn.softmax(sparse_logits, axis=-1)
    return (output, topk_indices)

if __name__ == "__main__":
    import jax
    _d = setup_inputs()
    print(jax.jit(kernel)(*tuple(_d.values())))

</pallas_src>

<mosaic_0001>
#map = affine_map<(d0, d1) -> (0)>
module attributes {stable_mosaic.version = 14 : i64} {
  func.func @sc_kernel(%arg0: i32, %arg1: i32, %arg2: memref<2097152xf32, #tpu.memory_space<hbm>>, %arg3: memref<2097152xf32, #tpu.memory_space<hbm>>, %arg4: memref<524288xi32, #tpu.memory_space<hbm>>, %arg5: memref<32768xf32, #tpu.memory_space<vmem>>, %arg6: memref<32768xf32, #tpu.memory_space<vmem>>, %arg7: memref<8192xi32, #tpu.memory_space<vmem>>) attributes {dimension_semantics = [#tpu.dimension_semantics<core_parallel>, #tpu.dimension_semantics<subcore_parallel>], iteration_bounds = array<i64: 2, 16>, scalar_prefetch = 0 : i64, scratch_operands = 3 : i64, tpu.core_type = #tpu.core_type<sc_vector_subcore>, window_params = [{transform_indices = #map}, {transform_indices = #map}, {transform_indices = #map}]} {
    %mul3A = arith.constant 2 : i32
    %mul3A_0 = arith.muli %arg1, %mul3A : i32
    %add3A = arith.addi %mul3A_0, %arg0 : i32
    %iota3A = tpu.iota {dimensions = array<i32: 0>} : vector<16xi32>
    %lt3A = arith.constant 8 : i32
    %lt3A_1 = vector.broadcast %lt3A : i32 to vector<16xi32>
    %lt3A_2 = arith.cmpi slt, %iota3A, %lt3A_1 : vector<16xi32>
    %broadcast_in_dim3A = arith.constant 0.000000e+00 : f32
    %broadcast_in_dim3A_3 = vector.broadcast %broadcast_in_dim3A : f32 to vector<16xf32>
    %scan3A = arith.constant 0 : i32
    %scan3A_4 = arith.constant 2 : i32
    %scan3A_5 = arith.addi %scan3A, %scan3A_4 : i32
    %scan3A_6 = arith.constant 1 : i32
    scf.for %scan3A_8 = %scan3A to %scan3A_5 step %scan3A_6  : i32 {
      %mul3A_9 = arith.constant 1 : i32
      %mul3A_10 = arith.muli %scan3A_8, %mul3A_9 : i32
      %add3A_11 = arith.constant 0 : i32
      %add3A_12 = arith.addi %add3A_11, %mul3A_10 : i32
      %mul3A_13 = arith.constant 1024 : i32
      %mul3A_14 = arith.muli %add3A, %mul3A_13 : i32
      %mul3A_15 = arith.constant 512 : i32
      %mul3A_16 = arith.muli %add3A_12, %mul3A_15 : i32
      %add3A_17 = arith.addi %mul3A_14, %mul3A_16 : i32
      %mul3A_18 = arith.constant 64 : i32
      %mul3A_19 = arith.muli %add3A_17, %mul3A_18 : i32
      "tpu.region"() ({
        %run_scoped3A = tpu.sem_alloc : memref<!tpu.dma_semaphore, #tpu.memory_space<semaphore_mem>>
        %dma_start3A = tpu.memref_slice %arg2[%mul3A_19] : memref<2097152xf32, #tpu.memory_space<hbm>> -> memref<32768xf32, #tpu.memory_space<hbm>>
        %dma_start3A_26 = tpu.memref_slice %arg2[%mul3A_19] : memref<2097152xf32, #tpu.memory_space<hbm>> -> memref<32768xf32, #tpu.memory_space<hbm>>
        tpu.enqueue_dma source(%dma_start3A_26 : memref<32768xf32, #tpu.memory_space<hbm>>) target(%arg5 : memref<32768xf32, #tpu.memory_space<vmem>>) target_semaphore(%run_scoped3A : memref<!tpu.dma_semaphore, #tpu.memory_space<semaphore_mem>>)
        %dma_wait3A = tpu.memref_slice %arg2[%mul3A_19] : memref<2097152xf32, #tpu.memory_space<hbm>> -> memref<32768xf32, #tpu.memory_space<hbm>>
        %dma_wait3A_27 = tpu.memref_slice %arg2[%mul3A_19] : memref<2097152xf32, #tpu.memory_space<hbm>> -> memref<32768xf32, #tpu.memory_space<hbm>>
        tpu.wait_dma2 semaphore(%run_scoped3A : memref<!tpu.dma_semaphore, #tpu.memory_space<semaphore_mem>>) src(%dma_wait3A_27 : memref<32768xf32, #tpu.memory_space<hbm>>) dst(%arg5 : memref<32768xf32, #tpu.memory_space<vmem>>)
        tpu.yield
      }) : () -> ()
      %parallel_loop3A = arith.constant 0 : i32
      %parallel_loop3A_20 = arith.constant 512 : i32
      %parallel_loop3A_21 = arith.constant 1 : i32
      scf.for %parallel_loop3A_26 = %parallel_loop3A to %parallel_loop3A_20 step %parallel_loop3A_21  : i32 {
        %parallel_loop3A_27 = arith.constant 64 : i32
        %parallel_loop3A_28 = arith.muli %parallel_loop3A_26, %parallel_loop3A_27 : i32
        %parallel_loop3A_29 = arith.index_cast %parallel_loop3A_28 : i32 to index
        %parallel_loop3A_30 = tpu.vector_load %arg5[%parallel_loop3A_29] {strides = array<i32>} : memref<32768xf32, #tpu.memory_space<vmem>>, vector<16xf32>,
        %parallel_loop3A_31 = arith.constant 16 : i32
        %parallel_loop3A_32 = arith.addi %parallel_loop3A_28, %parallel_loop3A_31 : i32
        %parallel_loop3A_33 = arith.index_cast %parallel_loop3A_32 : i32 to index
        %parallel_loop3A_34 = tpu.vector_load %arg5[%parallel_loop3A_33] {strides = array<i32>} : memref<32768xf32, #tpu.memory_space<vmem>>, vector<16xf32>,
        %parallel_loop3A_35 = arith.constant 32 : i32
        %parallel_loop3A_36 = arith.addi %parallel_loop3A_28, %parallel_loop3A_35 : i32
        %parallel_loop3A_37 = arith.index_cast %parallel_loop3A_36 : i32 to index
        %parallel_loop3A_38 = tpu.vector_load %arg5[%parallel_loop3A_37] {strides = array<i32>} : memref<32768xf32, #tpu.memory_space<vmem>>, vector<16xf32>,
        %parallel_loop3A_39 = arith.constant 48 : i32
        %parallel_loop3A_40 = arith.addi %parallel_loop3A_28, %parallel_loop3A_39 : i32
        %parallel_loop3A_41 = arith.index_cast %parallel_loop3A_40 : i32 to index
        %parallel_loop3A_42 = tpu.vector_load %arg5[%parallel_loop3A_41] {strides = array<i32>} : memref<32768xf32, #tpu.memory_space<vmem>>, vector<16xf32>,
        %parallel_loop3A_43 = arith.constant dense<true> : vector<16xi1>
        %parallel_loop3A_44, %parallel_loop3A_45, %parallel_loop3A_46 = tpu.sort %parallel_loop3A_30, %iota3A masked %parallel_loop3A_43 {descending = true} : (vector<16xf32>, vector<16xi32>, vector<16xi1>) -> (vector<16xi1>, vector<16xf32>, vector<16xi32>)
        %parallel_loop3A_47 = arith.constant 16 : i32
        %parallel_loop3A_48 = vector.broadcast %parallel_loop3A_47 : i32 to vector<16xi32>
        %parallel_loop3A_49 = arith.addi %iota3A, %parallel_loop3A_48 : vector<16xi32>
        %parallel_loop3A_50 = arith.constant dense<true> : vector<16xi1>
        %parallel_loop3A_51, %parallel_loop3A_52, %parallel_loop3A_53 = tpu.sort %parallel_loop3A_34, %parallel_loop3A_49 masked %parallel_loop3A_50 {descending = true} : (vector<16xf32>, vector<16xi32>, vector<16xi1>) -> (vector<16xi1>, vector<16xf32>, vector<16xi32>)
        %parallel_loop3A_54 = arith.constant 32 : i32
        %parallel_loop3A_55 = vector.broadcast %parallel_loop3A_54 : i32 to vector<16xi32>
        %parallel_loop3A_56 = arith.addi %iota3A, %parallel_loop3A_55 : vector<16xi32>
        %parallel_loop3A_57 = arith.constant dense<true> : vector<16xi1>
        %parallel_loop3A_58, %parallel_loop3A_59, %parallel_loop3A_60 = tpu.sort %parallel_loop3A_38, %parallel_loop3A_56 masked %parallel_loop3A_57 {descending = true} : (vector<16xf32>, vector<16xi32>, vector<16xi1>) -> (vector<16xi1>, vector<16xf32>, vector<16xi32>)
        %parallel_loop3A_61 = arith.constant 48 : i32
        %parallel_loop3A_62 = vector.broadcast %parallel_loop3A_61 : i32 to vector<16xi32>
        %parallel_loop3A_63 = arith.addi %iota3A, %parallel_loop3A_62 : vector<16xi32>
        %parallel_loop3A_64 = arith.constant dense<true> : vector<16xi1>
        %parallel_loop3A_65, %parallel_loop3A_66, %parallel_loop3A_67 = tpu.sort %parallel_loop3A_42, %parallel_loop3A_63 masked %parallel_loop3A_64 {descending = true} : (vector<16xf32>, vector<16xi32>, vector<16xi1>) -> (vector<16xi1>, vector<16xf32>, vector<16xi32>)
        %parallel_loop3A_68 = arith.constant 15 : i32
        %parallel_loop3A_69 = vector.broadcast %parallel_loop3A_68 : i32 to vector<16xi32>
        %parallel_loop3A_70 = tpu.iota {dimensions = array<i32: 0>} : vector<16xi32>
        %parallel_loop3A_71 = arith.subi %parallel_loop3A_69, %parallel_loop3A_70 : vector<16xi32>
        %parallel_loop3A_72 = tpu.dynamic_gather %parallel_loop3A_52[%parallel_loop3A_71] in [0] : vector<16xf32>, vector<16xi32> -> vector<16xf32>
        %parallel_loop3A_73 = arith.select %lt3A_2, %parallel_loop3A_45, %parallel_loop3A_72 : vector<16xi1>, vector<16xf32>
        %parallel_loop3A_74 = arith.constant 15 : i32
        %parallel_loop3A_75 = vector.broadcast %parallel_loop3A_74 : i32 to vector<16xi32>
        %parallel_loop3A_76 = tpu.iota {dimensions = array<i32: 0>} : vector<16xi32>
        %parallel_loop3A_77 = arith.subi %parallel_loop3A_75, %parallel_loop3A_76 : vector<16xi32>
        %parallel_loop3A_78 = tpu.dynamic_gather %parallel_loop3A_53[%parallel_loop3A_77] in [0] : vector<16xi32>, vector<16xi32> -> vector<16xi32>
        %parallel_loop3A_79 = arith.select %lt3A_2, %parallel_loop3A_46, %parallel_loop3A_78 : vector<16xi1>, vector<16xi32>
        %parallel_loop3A_80 = arith.constant dense<true> : vector<16xi1>
        %parallel_loop3A_81, %parallel_loop3A_82, %parallel_loop3A_83 = tpu.sort %parallel_loop3A_73, %parallel_loop3A_79 masked %parallel_loop3A_80 {descending = true} : (vector<16xf32>, vector<16xi32>, vector<16xi1>) -> (vector<16xi1>, vector<16xf32>, vector<16xi32>)
        %parallel_loop3A_84 = arith.constant 15 : i32
        %parallel_loop3A_85 = vector.broadcast %parallel_loop3A_84 : i32 to vector<16xi32>
        %parallel_loop3A_86 = tpu.iota {dimensions = array<i32: 0>} : vector<16xi32>
        %parallel_loop3A_87 = arith.subi %parallel_loop3A_85, %parallel_loop3A_86 : vector<16xi32>
        %parallel_loop3A_88 = tpu.dynamic_gather %parallel_loop3A_66[%parallel_loop3A_87] in [0] : vector<16xf32>, vector<16xi32> -> vector<16xf32>
        %parallel_loop3A_89 = arith.select %lt3A_2, %parallel_loop3A_59, %parallel_loop3A_88 : vector<16xi1>, vector<16xf32>
        %parallel_loop3A_90 = arith.constant 15 : i32
        %parallel_loop3A_91 = vector.broadcast %parallel_loop3A_90 : i32 to vector<16xi32>
        %parallel_loop3A_92 = tpu.iota {dimensions = array<i32: 0>} : vector<16xi32>
        %parallel_loop3A_93 = arith.subi %parallel_loop3A_91, %parallel_loop3A_92 : vector<16xi32>
        %parallel_loop3A_94 = tpu.dynamic_gather %parallel_loop3A_67[%parallel_loop3A_93] in [0] : vector<16xi32>, vector<16xi32> -> vector<16xi32>
        %parallel_loop3A_95 = arith.select %lt3A_2, %parallel_loop3A_60, %parallel_loop3A_94 : vector<16xi1>, vector<16xi32>
        %parallel_loop3A_96 = arith.constant dense<true> : vector<16xi1>
        %parallel_loop3A_97, %parallel_loop3A_98, %parallel_loop3A_99 = tpu.sort %parallel_loop3A_89, %parallel_loop3A_95 masked %parallel_loop3A_96 {descending = true} : (vector<16xf32>, vector<16xi32>, vector<16xi1>) -> (vector<16xi1>, vector<16xf32>, vector<16xi32>)
        %parallel_loop3A_100 = arith.constant 15 : i32
        %parallel_loop3A_101 = vector.broadcast %parallel_loop3A_100 : i32 to vector<16xi32>
        %parallel_loop3A_102 = tpu.iota {dimensions = array<i32: 0>} : vector<16xi32>
        %parallel_loop3A_103 = arith.subi %parallel_loop3A_101, %parallel_loop3A_102 : vector<16xi32>
        %parallel_loop3A_104 = tpu.dynamic_gather %parallel_loop3A_98[%parallel_loop3A_103] in [0] : vector<16xf32>, vector<16xi32> -> vector<16xf32>
        %parallel_loop3A_105 = arith.select %lt3A_2, %parallel_loop3A_82, %parallel_loop3A_104 : vector<16xi1>, vector<16xf32>
        %parallel_loop3A_106 = arith.constant 15 : i32
        %parallel_loop3A_107 = vector.broadcast %parallel_loop3A_106 : i32 to vector<16xi32>
        %parallel_loop3A_108 = tpu.iota {dimensions = array<i32: 0>} : vector<16xi32>
        %parallel_loop3A_109 = arith.subi %parallel_loop3A_107, %parallel_loop3A_108 : vector<16xi32>
        %parallel_loop3A_110 = tpu.dynamic_gather %parallel_loop3A_99[%parallel_loop3A_109] in [0] : vector<16xi32>, vector<16xi32> -> vector<16xi32>
        %parallel_loop3A_111 = arith.select %lt3A_2, %parallel_loop3A_83, %parallel_loop3A_110 : vector<16xi1>, vector<16xi32>
        %parallel_loop3A_112 = arith.constant dense<true> : vector<16xi1>
        %parallel_loop3A_113, %parallel_loop3A_114, %parallel_loop3A_115 = tpu.sort %parallel_loop3A_105, %parallel_loop3A_111 masked %parallel_loop3A_112 {descending = true} : (vector<16xf32>, vector<16xi32>, vector<16xi1>) -> (vector<16xi1>, vector<16xf32>, vector<16xi32>)
        %parallel_loop3A_116 = arith.constant true
        %parallel_loop3A_117 = vector.broadcast %parallel_loop3A_116 : i1 to vector<16xi1>
        %parallel_loop3A_118 = tpu.scan <max>, %parallel_loop3A_114 masked %parallel_loop3A_117 : vector<16xf32>, vector<16xi1> -> vector<16xf32>
        %parallel_loop3A_119 = vector.extract %parallel_loop3A_118[15] : f32 from vector<16xf32>
        %parallel_loop3A_120 = vector.broadcast %parallel_loop3A_119 : f32 to vector<16xf32>
        %parallel_loop3A_121 = arith.subf %parallel_loop3A_114, %parallel_loop3A_120 : vector<16xf32>
        %parallel_loop3A_122 = math.exp %parallel_loop3A_121 : vector<16xf32>
        %parallel_loop3A_123 = arith.constant 0.000000e+00 : f32
        %parallel_loop3A_124 = vector.broadcast %parallel_loop3A_123 : f32 to vector<16xf32>
        %parallel_loop3A_125 = arith.select %lt3A_2, %parallel_loop3A_122, %parallel_loop3A_124 : vector<16xi1>, vector<16xf32>
        %parallel_loop3A_126 = arith.constant true
        %parallel_loop3A_127 = vector.broadcast %parallel_loop3A_126 : i1 to vector<16xi1>
        %parallel_loop3A_128 = tpu.scan <sum>, %parallel_loop3A_125 masked %parallel_loop3A_127 : vector<16xf32>, vector<16xi1> -> vector<16xf32>
        %parallel_loop3A_129 = vector.extract %parallel_loop3A_128[15] : f32 from vector<16xf32>
        %parallel_loop3A_130 = vector.broadcast %parallel_loop3A_129 : f32 to vector<16xf32>
        %parallel_loop3A_131 = arith.divf %parallel_loop3A_125, %parallel_loop3A_130 : vector<16xf32>
        %parallel_loop3A_132 = arith.index_cast %parallel_loop3A_28 : i32 to index
        %parallel_loop3A_133 = tpu.vector_load %arg6[%parallel_loop3A_132] {strides = array<i32>} : memref<32768xf32, #tpu.memory_space<vmem>>, vector<16xf32>,
        tpu.vector_store %arg6[%parallel_loop3A_132], %broadcast_in_dim3A_3 {strides = array<i32>} : memref<32768xf32, #tpu.memory_space<vmem>>, vector<16xf32>,
        %parallel_loop3A_134 = arith.constant 16 : i32
        %parallel_loop3A_135 = arith.addi %parallel_loop3A_28, %parallel_loop3A_134 : i32
        %parallel_loop3A_136 = arith.index_cast %parallel_loop3A_135 : i32 to index
        %parallel_loop3A_137 = tpu.vector_load %arg6[%parallel_loop3A_136] {strides = array<i32>} : memref<32768xf32, #tpu.memory_space<vmem>>, vector<16xf32>,
        tpu.vector_store %arg6[%parallel_loop3A_136], %broadcast_in_dim3A_3 {strides = array<i32>} : memref<32768xf32, #tpu.memory_space<vmem>>, vector<16xf32>,
        %parallel_loop3A_138 = arith.constant 32 : i32
        %parallel_loop3A_139 = arith.addi %parallel_loop3A_28, %parallel_loop3A_138 : i32
        %parallel_loop3A_140 = arith.index_cast %parallel_loop3A_139 : i32 to index
        %parallel_loop3A_141 = tpu.vector_load %arg6[%parallel_loop3A_140] {strides = array<i32>} : memref<32768xf32, #tpu.memory_space<vmem>>, vector<16xf32>,
        tpu.vector_store %arg6[%parallel_loop3A_140], %broadcast_in_dim3A_3 {strides = array<i32>} : memref<32768xf32, #tpu.memory_space<vmem>>, vector<16xf32>,
        %parallel_loop3A_142 = arith.constant 48 : i32
        %parallel_loop3A_143 = arith.addi %parallel_loop3A_28, %parallel_loop3A_142 : i32
        %parallel_loop3A_144 = arith.index_cast %parallel_loop3A_143 : i32 to index
        %parallel_loop3A_145 = tpu.vector_load %arg6[%parallel_loop3A_144] {strides = array<i32>} : memref<32768xf32, #tpu.memory_space<vmem>>, vector<16xf32>,
        tpu.vector_store %arg6[%parallel_loop3A_144], %broadcast_in_dim3A_3 {strides = array<i32>} : memref<32768xf32, #tpu.memory_space<vmem>>, vector<16xf32>,
        %parallel_loop3A_146 = vector.broadcast %parallel_loop3A_28 : i32 to vector<16xi32>
        %parallel_loop3A_147 = arith.addi %parallel_loop3A_146, %parallel_loop3A_115 : vector<16xi32>
        tpu.vector_store_idx %arg6[%parallel_loop3A_147], %parallel_loop3A_131 masked %lt3A_2 : memref<32768xf32, #tpu.memory_space<vmem>>[vector<16xi32>], vector<16xf32>, vector<16xi1>
        %parallel_loop3A_148 = arith.constant 16 : i32
        %parallel_loop3A_149 = arith.muli %parallel_loop3A_26, %parallel_loop3A_148 : i32
        %parallel_loop3A_150 = arith.index_cast %parallel_loop3A_149 : i32 to index
        %parallel_loop3A_151 = tpu.vector_load %arg7[%parallel_loop3A_150] {strides = array<i32>} : memref<8192xi32, #tpu.memory_space<vmem>>, vector<16xi32>,
        tpu.vector_store %arg7[%parallel_loop3A_150], %parallel_loop3A_115 {strides = array<i32>} : memref<8192xi32, #tpu.memory_space<vmem>>, vector<16xi32>,
      } {sc.loop_unroll_factor = 4 : i64, sc.parallel_access}
      %mul3A_22 = arith.constant 64 : i32
      %mul3A_23 = arith.muli %add3A_17, %mul3A_22 : i32
      "tpu.region"() ({
        %run_scoped3A = tpu.sem_alloc : memref<!tpu.dma_semaphore, #tpu.memory_space<semaphore_mem>>
        %dma_start3A = tpu.memref_slice %arg3[%mul3A_23] : memref<2097152xf32, #tpu.memory_space<hbm>> -> memref<32768xf32, #tpu.memory_space<hbm>>
        %dma_start3A_26 = tpu.memref_slice %arg3[%mul3A_23] : memref<2097152xf32, #tpu.memory_space<hbm>> -> memref<32768xf32, #tpu.memory_space<hbm>>
        tpu.enqueue_dma source(%arg6 : memref<32768xf32, #tpu.memory_space<vmem>>) target(%dma_start3A_26 : memref<32768xf32, #tpu.memory_space<hbm>>) target_semaphore(%run_scoped3A : memref<!tpu.dma_semaphore, #tpu.memory_space<semaphore_mem>>)
        %dma_wait3A = tpu.memref_slice %arg3[%mul3A_23] : memref<2097152xf32, #tpu.memory_space<hbm>> -> memref<32768xf32, #tpu.memory_space<hbm>>
        %dma_wait3A_27 = tpu.memref_slice %arg3[%mul3A_23] : memref<2097152xf32, #tpu.memory_space<hbm>> -> memref<32768xf32, #tpu.memory_space<hbm>>
        tpu.wait_dma2 semaphore(%run_scoped3A : memref<!tpu.dma_semaphore, #tpu.memory_space<semaphore_mem>>) src(%arg6 : memref<32768xf32, #tpu.memory_space<vmem>>) dst(%dma_wait3A_27 : memref<32768xf32, #tpu.memory_space<hbm>>)
        tpu.yield
      }) : () -> ()
      %mul3A_24 = arith.constant 16 : i32
      %mul3A_25 = arith.muli %add3A_17, %mul3A_24 : i32
      "tpu.region"() ({
        %run_scoped3A = tpu.sem_alloc : memref<!tpu.dma_semaphore, #tpu.memory_space<semaphore_mem>>
        %dma_start3A = tpu.memref_slice %arg4[%mul3A_25] : memref<524288xi32, #tpu.memory_space<hbm>> -> memref<8192xi32, #tpu.memory_space<hbm>>
        %dma_start3A_26 = tpu.memref_slice %arg4[%mul3A_25] : memref<524288xi32, #tpu.memory_space<hbm>> -> memref<8192xi32, #tpu.memory_space<hbm>>
        tpu.enqueue_dma source(%arg7 : memref<8192xi32, #tpu.memory_space<vmem>>) target(%dma_start3A_26 : memref<8192xi32, #tpu.memory_space<hbm>>) target_semaphore(%run_scoped3A : memref<!tpu.dma_semaphore, #tpu.memory_space<semaphore_mem>>)
        %dma_wait3A = tpu.memref_slice %arg4[%mul3A_25] : memref<524288xi32, #tpu.memory_space<hbm>> -> memref<8192xi32, #tpu.memory_space<hbm>>
        %dma_wait3A_27 = tpu.memref_slice %arg4[%mul3A_25] : memref<524288xi32, #tpu.memory_space<hbm>> -> memref<8192xi32, #tpu.memory_space<hbm>>
        tpu.wait_dma2 semaphore(%run_scoped3A : memref<!tpu.dma_semaphore, #tpu.memory_space<semaphore_mem>>) src(%arg7 : memref<8192xi32, #tpu.memory_space<vmem>>) dst(%dma_wait3A_27 : memref<8192xi32, #tpu.memory_space<hbm>>)
        tpu.yield
      }) : () -> ()
    }
    %scan3A_7 = arith.constant 2 : i32
    return
  }
}

module attributes {stable_mosaic.version = 14 : i64} {
  func.func @_gate_block(%arg0: i32, %arg1: memref<64x4096xf32, #tpu.memory_space<vmem>>, %arg2: memref<64x1xf32, #tpu.memory_space<vmem>>, %arg3: memref<1024x4096xf32, #tpu.memory_space<vmem>>, %arg4: memref<1024x64xf32, #tpu.memory_space<vmem>>) attributes {dimension_semantics = [#tpu.dimension_semantics<arbitrary>], iteration_bounds = array<i64: 32>, scalar_prefetch = 0 : i64, scratch_operands = 0 : i64, tpu.core_type = #tpu.core_type<tc>, window_params = [{pipeline_mode = #tpu.pipeline_mode<synchronous>, transform_indices = @transform_0, window_bounds = array<i64: 64, 4096>}, {pipeline_mode = #tpu.pipeline_mode<synchronous>, transform_indices = @transform_1, window_bounds = array<i64: 64, 1>}, {transform_indices = @transform_2, window_bounds = array<i64: 1024, 4096>}, {transform_indices = @transform_3, window_bounds = array<i64: 1024, 64>}]} {
    %get3A = arith.constant 0 : index
    %get3A_0 = arith.constant 0 : index
    %get3A_1 = vector.load %arg1[%get3A, %get3A_0] : memref<64x4096xf32, #tpu.memory_space<vmem>>, vector<64x4096xf32>
    %get3A_2 = arith.constant 0 : index
    %get3A_3 = arith.constant 0 : index
    %get3A_4 = vector.load %arg3[%get3A_2, %get3A_3] : memref<1024x4096xf32, #tpu.memory_space<vmem>>, vector<1024x4096xf32>
    %dot_general3A = arith.constant dense<0.000000e+00> : vector<64x1024xf32>
    %dot_general3A_5 = tpu.matmul %get3A_1, %get3A_4, %dot_general3A {dimension_numbers = #tpu.dot_dimension_numbers<[1], [1], [0], [0], [0, 0, 1, 0], [], []>, transpose_lhs_hint = false} : vector<64x4096xf32>, vector<1024x4096xf32>, vector<64x1024xf32> -> vector<64x1024xf32>
    %get3A_6 = arith.constant 0 : index
    %get3A_7 = arith.constant 0 : index
    %get3A_8 = vector.load %arg2[%get3A_6, %get3A_7] : memref<64x1xf32, #tpu.memory_space<vmem>>, vector<64x1xf32>
    %add3A = vector.broadcast %get3A_8 : vector<64x1xf32> to vector<64x1024xf32>
    %add3A_9 = arith.addf %dot_general3A_5, %add3A : vector<64x1024xf32>
    %transpose3A = tpu.transpose %add3A_9, [1, 0] : vector<64x1024xf32> -> vector<1024x64xf32>
    %swap3A = arith.constant 0 : index
    %swap3A_10 = arith.constant 0 : index
    %swap3A_11 = vector.load %arg4[%swap3A, %swap3A_10] : memref<1024x64xf32, #tpu.memory_space<vmem>>, vector<1024x64xf32>
    tpu.vector_store %arg4[%swap3A, %swap3A_10], %transpose3A {strides = array<i32>} : memref<1024x64xf32, #tpu.memory_space<vmem>>, vector<1024x64xf32>,
    return
  }
  func.func @transform_0(%arg0: i32) -> (i32, i32) {
    %c0_i32 = arith.constant 0 : i32
    %c0_i32_0 = arith.constant 0 : i32
    %c0_i32_1 = arith.constant 0 : i32
    return %c0_i32, %c0_i32_0 : i32, i32
  }
  func.func @transform_1(%arg0: i32) -> (i32, i32) {
    %c0_i32 = arith.constant 0 : i32
    %c0_i32_0 = arith.constant 0 : i32
    %c0_i32_1 = arith.constant 0 : i32
    return %c0_i32, %c0_i32_0 : i32, i32
  }
  func.func @transform_2(%arg0: i32) -> (i32, i32) {
    %c0_i32 = arith.constant 0 : i32
    %c0_i32_0 = arith.constant 0 : i32
    return %arg0, %c0_i32 : i32, i32
  }
  func.func @transform_3(%arg0: i32) -> (i32, i32) {
    %c0_i32 = arith.constant 0 : i32
    %c0_i32_0 = arith.constant 0 : i32
    return %arg0, %c0_i32 : i32, i32
  }
}

</mosaic_0001>

<sc_bundles>
// kernel: kernel.4.cloned.1.call-start
scs
__scs_entry_jumppad:
0x0: {  	(pc) =	sbr.rel $0x88, $3  }
0x1: {  	(tag) =	ssettag $0x0;
	lr =	simm.s32 $0x1  }
0x2: {  	[smem:$0x3F9E] =	sst lr;
	_ =	strace $0xD0000000  }
0x3: {  	_ = 	snop  }
0x4: {  	_ = 	snop  }
0x5: {  	_ = 	snop  }
0x6: {  	_ = 	snop  }
0x7: {  	_ = 	snop  }
__scs_overlays_trampoline_lowered:
0x8: {  	[smem:$0x3FAD] =	sst s0  }
0x9: {  	[smem:$0x3FAE] =	sst s1  }
0xa: {  	[smem:$0x3FAF] =	sst s2  }
0xb: {  	[smem:$0x3FB0] =	sst s3  }
0xc: {  	[smem:$0x3FB1] =	sst s4  }
0xd: {  	[smem:$0x3FB2] =	sst s5  }
0xe: {  	[smem:$0x3FB3] =	sst s6  }
0xf: {  	[smem:$0x3FB4] =	sst s7  }
0x10: {  	[smem:$0x3FB5] =	sst s8  }
0x11: {  	[smem:$0x3FB6] =	sst s9;
	s0 =	simm.s32 @!p0 $0x0  }
0x12: {  	s1 =	sld [smem:$0x3F9C];
	s0 =	simm.s32 @p0 $0x1  }
0x13: {  	[smem:$0x3FB7] =	sst s0;
	s0 =	simm.s32 @!p1 $0x0  }
0x14: {  	s2 =	sld [smem:$0x3F9B];
	s0 =	simm.s32 @p1 $0x1  }
0x15: {  	[smem:$0x3FB8] =	sst s0;
	s0 =	simm.s32 @!p2 $0x0  }
0x16: {  	s3 =	sld [smem:$0x3FDB];
	s0 =	simm.s32 @p2 $0x1  }
0x17: {  	s4 =	simm.s32 $0x1BF5;
	[smem:$0x3FBA] =	sst s0  }
0x18: {  	s0 =	sld [smem:$0x3F9D];
	_ =	swait.ge [sflag:s4], $0x0  }
0x19: {  	s7 =	sld [smem:$0x3F9E]  }
0x1a: {  	s8 =	sadd.s32 $0xFFFFE003, lr  }
0x1b: {  	s9 =	sadd.s32 $0xFFFFFEF7, lr;
	s5 =	simm.s32 $0xFFFFFFFF;
	p2 =	slt.u32 s8, $0xFFFFF086  }
0x1c: {  	p1 =	slt.u32 s9, $0xF7A;
	s5 =	simm.s32 @!p2 $0x0  }
0x1d: {  	s5 =	simm.s32 @p1 $0x1;
	p0 =	seq.s32 s7, s2  }
0x1e: {  	s7 =	smul.u32 @!p0 $0xF7A, s2;
	p2 =	seq.s32 @!p0 s5, $0x0  }
0x1f: {  	s9 =	smul.u32 $0xF7A, s1;
	s8 =	simm.s32 @!p0 $0x1BF5;
	p2 =	por !p2, p0  }
0x20: {  	[sflag:s8] =	ssyncset.s32 @!p0 $0xFFFFF086;
	s6 =	sadd.s32 @!p0 s3, s7;
	s7 =	simm.s32 @!p0 $0x108  }
0x21: {  	s3 =	sadd.s32 s3, s9;
	s6 =	sadd.s32 @!p0 $0x88, s6;
	s7 =	simm.s32 @p2 $0x1082  }
0x22: {  	[simem:s7], [sflag:s8] =	dma.local @!p0 [hbm:s6], $0xF7A  }
0x23: {  	s9 =	sor.u32 $0xD0000000, s2;
	s6 =	simm.s32 $0x108;
	_ =	swait.ge @!p0 [sflag:s8], $0x0  }
0x24: {  	s3 =	sadd.s32 $0x88, s3;
	s6 =	simm.s32 @!p1 $0x1082;
	[sflag:s4] =	ssyncset.s32 $0xFFFFF086  }
0x25: {  	[simem:s6], [sflag:s4] =	dma.local [hbm:s3], $0xF7A  }
0x26: {  	[smem:$0x3F9E] =	sst s1;
	(tag) =	ssettag s2;
	_ =	strace s9  }
0x27: {  	s1 =	sld [smem:$0x3FAE]  }
0x28: {  	s2 =	sld [smem:$0x3FAF]  }
0x29: {  	s4 =	sld [smem:$0x3FB1]  }
0x2a: {  	p0 =	seq.s32 s5, $0x0;
	s5 =	sld [smem:$0x3FB2]  }
0x2b: {  	s6 =	sld [smem:$0x3FB3]  }
0x2c: {  	s7 =	sld [smem:$0x3FB4]  }
0x2d: {  	s3 =	simm.s32 $0x108;
	s8 =	sld [smem:$0x3FB5]  }
0x2e: {  	s3 =	simm.s32 @!p0 $0x1082;
	s9 =	sld [smem:$0x3FB6]  }
0x2f: {  	lr =	sadd.s32 s0, s3;
	s0 =	sld [smem:$0x3FAD]  }
0x30: {  	s3 =	sld [smem:$0x3FB0]  }
0x31: {  	[smem:$0x3FB9] =	sst s10  }
0x32: {  	s10 =	sld [smem:$0x3FB7];
	_ =	sdelay $0x3  }
0x33: {  	p0 =	seq.s32 s10, $0x1;
	s10 =	sld [smem:$0x3FB9];
	_ =	sdelay $0x3  }
0x34: {  	[smem:$0x3FB9] =	sst s10  }
0x35: {  	s10 =	sld [smem:$0x3FB8];
	_ =	sdelay $0x3  }
0x36: {  	p1 =	seq.s32 s10, $0x1;
	s10 =	sld [smem:$0x3FB9];
	_ =	sdelay $0x3  }
0x37: {  	[smem:$0x3FB9] =	sst s10  }
0x38: {  	s10 =	sld [smem:$0x3FBA]  }
0x39: {  	_ = 	snop;
	(pc) =	sbr.ind lr, $3  }
0x3a: {  	_ = 	snop  }
0x3b: {  	_ = 	snop  }
0x3c: {  	p2 =	seq.s32 s10, $0x1;
	s10 =	sld [smem:$0x3FB9]  }
0x3d: {  	_ =	shalt  }
0x3e: {  	_ =	shalt  }
0x3f: {  	_ =	shalt  }
0x40: {  	_ =	shalt  }
0x41: {  	_ =	shalt  }
0x42: {  	_ =	shalt  }
0x43: {  	_ =	shalt  }
0x44: {  	_ =	shalt  }
0x45: {  	_ =	shalt  }
0x46: {  	_ =	shalt  }
0x47: {  	_ =	shalt  }
0x48: {  	_ =	shalt  }
0x49: {  	_ =	shalt  }
0x4a: {  	_ =	shalt  }
0x4b: {  	_ =	shalt  }
0x4c: {  	_ =	shalt  }
0x4d: {  	_ =	shalt  }
0x4e: {  	_ =	shalt  }
0x4f: {  	_ =	shalt  }
0x50: {  	_ =	shalt  }
0x51: {  	_ =	shalt  }
0x52: {  	_ =	shalt  }
0x53: {  	_ =	shalt  }
0x54: {  	_ =	shalt  }
0x55: {  	_ =	shalt  }
0x56: {  	_ =	shalt  }
0x57: {  	_ =	shalt  }
0x58: {  	_ =	shalt  }
0x59: {  	_ =	shalt  }
0x5a: {  	_ =	shalt  }
0x5b: {  	_ =	shalt  }
0x5c: {  	_ =	shalt  }
0x5d: {  	_ =	shalt  }
0x5e: {  	_ =	shalt  }
0x5f: {  	_ =	shalt  }
0x60: {  	_ =	shalt  }
0x61: {  	_ =	shalt  }
0x62: {  	_ =	shalt  }
0x63: {  	_ =	shalt  }
0x64: {  	_ =	shalt  }
0x65: {  	_ =	shalt  }
0x66: {  	_ =	shalt  }
0x67: {  	_ =	shalt  }
0x68: {  	_ =	shalt  }
0x69: {  	_ =	shalt  }
0x6a: {  	_ =	shalt  }
0x6b: {  	_ =	shalt  }
0x6c: {  	_ =	shalt  }
0x6d: {  	_ =	shalt  }
0x6e: {  	_ =	shalt  }
0x6f: {  	_ =	shalt  }
0x70: {  	_ =	shalt  }
0x71: {  	_ =	shalt  }
0x72: {  	_ =	shalt  }
0x73: {  	_ =	shalt  }
0x74: {  	_ =	shalt  }
0x75: {  	_ =	shalt  }
0x76: {  	_ =	shalt  }
0x77: {  	_ =	shalt  }
0x78: {  	_ =	shalt  }
0x79: {  	_ =	shalt  }
0x7a: {  	_ =	shalt  }
0x7b: {  	_ =	shalt  }
0x7c: {  	_ =	shalt  }
0x7d: {  	_ =	shalt  }
0x7e: {  	_ =	shalt  }
0x7f: {  	_ =	shalt  }
0x80: {  	_ =	shalt  }
0x81: {  	_ =	shalt  }
0x82: {  	_ =	shalt  }
0x83: {  	_ =	shalt  }
0x84: {  	_ =	shalt  }
0x85: {  	_ =	shalt  }
0x86: {  	_ =	shalt  }
0x87: {  	_ =	shalt  }
.Lfunc_end0:
.L_simem_size_0:
called_computation_lowered:
.L_overlay_start_0:
0x88: {  	s2 =	sld [smem:$0x3FD9]  }
0x89: {  	s3 =	sld [smem:$0x3FFE];
	_ =	sdelay $0x1  }
0x8a: {  	s1 =	srdreg.scid  }
0x8b: {  	s0 =	sand.u32 $0x1, s1  }
0x8c: {  	s14 =	sshll.u32 s0, $0xA;
	s2 =	sadd.s32 s3, s2  }
0x8d: {  	s2 =	sadd.s32 s2, s14  }
0x8e: {  	[smem:$0x3FC5] =	sst s2  }
0x8f: {  	_ = 	snop  }
0x90: {  	s2 =	sld [smem:$0x3FD0];
	_ =	sdelay $0x2  }
0x91: {  	s15 =	simm.s32 $0xA;
	s4 =	simm.s32 $0x10  }
0x92: {  	[smem:s4], [sflag:s15] =	dma.local [hbm:s2], $0x1  }
0x93: {  	_ =	swait.eq [sflag:s15], $0x1  }
0x94: {  	[sflag:s15] =	ssyncset.done $0x0  }
0x95: {  	[sflag:s15] =	ssyncadd.s32 $0xFFFFFFFF  }
0x96: {  	s16 =	sld [smem:$0x10];
	(tm) =	ssettm $0x1  }
0x97: {  	s17 =	sld [smem:$0x3FFB];
	_ =	sdelay $0x3  }
0x98: {  	_ =	strace s17  }
0x99: {  	s3 =	sld [smem:$0x3FFC];
	_ =	sdelay $0x3  }
0x9a: {  	_ =	strace s3  }
0x9b: {  	s3 =	sld [smem:$0x3FFD];
	_ =	sdelay $0x3  }
0x9c: {  	_ =	strace s3  }
0x9d: {  	_ =	strace $0x8FFFFFFF  }
0x9e: {  	s18 =	sld [smem:$0x3FDB];
	_ =	sdelay $0x1  }
0x9f: {  	s19 =	simm.s32 $_scs_section_size  }
0xa0: {  	s5 =	simm.s32 $_size__tile_overlayer_lowered;
	s6 =	simm.s32 $_tile_overlayer_lowered  }
0xa1: {  	s22 =	simm.s32 $0x1BFF;
	s21 =	sshll.u32 s6, $0x1;
	s3 =	sadd.s32 s19, s18  }
0xa2: {  	s7 =	simm.s32 $0x0;
	s20 =	sshll.u32 s5, $0x1;
	s5 =	sadd.s32 s21, s3  }
0xa3: {  	[timem:s7], [sflag:s22] =	dma.local [hbm:s5], s20  }
0xa4: {  	_ =	swait.ge [sflag:s22], s20  }
0xa5: {  	s4 =	ssub.s32 $0x0, s20;
	[sflag:s22] =	ssyncset.done $0x0  }
0xa6: {  	[sflag:s22] =	ssyncadd.s32 s4;
	_ =	sdelay $0x1  }
0xa7: {  	s23 =	simm.s32 $0x1B8B  }
0xa8: {  	_ =	swait.ge [sflag:s23], $0x1  }
0xa9: {  	[sflag:s23] =	ssyncset.done $0x0  }
0xaa: {  	s25 =	simm.s32 $0x1B8E;
	s24 =	sld [smem:$0x3FFE];
	[sflag:s23] =	ssyncadd.s32 $0xFFFFFFFF  }
0xab: {  	s26 =	simm.s32 $execute0_lowered;
	[smem:$0x3FD2] =	sst s25  }
0xac: {  	s5 =	sshll.u32 s26, $0x1;
	_ =	strace $0x80000046;
	[dreg:$0x1] =	wrdreg $0xFFFFFFFF  }
0xad: {  	s28 =	simm.s32 $_size_execute0_lowered;
	s3 =	sadd.s32 s3, s5;
	[dreg:$0x0] =	wrdreg $0x0  }
0xae: {  	s5 =	sshll.u32 s28, $0x1;
	[dreg:$0x2] =	wrdreg s3  }
0xaf: {  	[dreg:$0x3] =	wrdreg s5  }
0xb0: {  	[dreg:$0x4] =	wrdreg $0xC0  }
0xb1: {  	_ =	task [dreg:s7], $0x5FFFF  }
0xb2: {  	[dreg:$0x1] =	wrdreg $0xFFFFFFFF  }
0xb3: {  	[dreg:$0x0] =	wrdreg $0x60  }
0xb4: {  	[dreg:$0x2] =	wrdreg s16  }
0xb5: {  	[dreg:$0x3] =	wrdreg s24  }
0xb6: {  	[dreg:$0x4] =	wrdreg $0x9  }
0xb7: {  	_ =	task.clear_ibuf [dreg:s7], $0x5FFFF;
	_ =	strace $0x90000046  }
0xb8: {  	s29 =	simm.s32 $0x9;
	_ =	strace $0x80000048  }
0xb9: {  	_ =	swait.ge [sflag:s29], $0x1  }
0xba: {  	[sflag:s29] =	ssyncadd.s32 $0xFFFFFFFF  }
0xbb: {  	_ =	strace $0x90000048  }
0xbc: {  	_ =	sfence  }
0xbd: {  	s30 =	sld [smem:$0x0];
	_ =	sdelay $0x2  }
0xbe: {  	s31 =	sshll.u32 s1, $0xD;
	s1 =	sshrl.u32 s1, $0x2  }
0xbf: {  	s3 =	sand.u32 $0x4000, s31;
	s1 =	sadd.s32 s1, s30  }
0xc0: {  	s0 =	sor.u32 s3, s0;
	s1 =	sshll.u32 s1, $0x11  }
0xc1: {  	s0 =	sor.u32 s1, s0  }
0xc2: {  	s0 =	sadd.s32 $0x8F2B, s0  }
0xc3: {  	[sflag:s0] =	ssyncadd.remote.s32 $0x1  }
0xc4: {  	_ =	sfence.sel $0xFFFF  }
0xc5: {  	[dreg:$0x0] =	wrdreg $0xFFFFFFFF;
	(pc) =	sbr.abs _section_cstart, $3  }
0xc6: {  	[dreg:$0x1] =	wrdreg $0xFFFFFFFF  }
0xc7: {  	_ =	task.clear_ibuf [dreg:s7], $0x2FFFF;
	_ =	strace $0x9FFFFFFF  }
0xc8: {  	(tm) =	ssettm $0x7FFFFFFF  }
0xc9: {  	_ =	shalt  }
tec
execute0_lowered:
.L_overlay_start_1:
0x0: {  	(tag) =	ssettag $0x1  }
0x1: {  	s1 =	rddreg [dreg:$0x0]  }
0x2: {  	s3 =	rddreg [dreg:$0x1]  }
0x3: {  	s0 =	rddreg [dreg:$0x2];
	s2 =	simm.s32 $0x0  }
0x4: {  	s4 =	srdreg.scid;
	s9 =	simm.s32 $0x8000;
	s10 =	simm.s32 $0x10000  }
0x5: {  	s11 =	simm.s32 $0x0;
	[smem:$0x7FF] =	sst s2;
	s6 =	sand.u32 $0x1, s4  }
0x6: {  	v0 =	vlaneseq.u32;
	s4 =	sadd.s32 $0xC00, s3;
	s5 =	sadd.s32 $0x40C00, s3;
	s7 =	ssub.s32 $0x2, s6  }
0x7: {  	s3 =	stileid.u32;
	v4 =	vmul.u32 $0xFFFFFFFF, v0;
	_ =	strace $0x80000047;
	s8 =	sshrl.u32 s7, $0x1  }
0x8: {  	vm0 =	vmmov $0xff;
	v5 =	vimm.f32 $0.0e+00;
	v1 =	vor.u32 $0x10, v0;
	s31 =	sshll.u32 s3, $0xB;
	s6 =	sshll.u32 s6, $0xA;
	s7 =	ssub.s32 s7, s8  }
0x9: {  	v2 =	vor.u32 $0x20, v0;
	v3 =	vor.u32 $0x30, v0;
	s6 =	sor.u32 s6, s31;
	v4 =	vadd.s32 $0xF, v4;
	s8 =	simm.s32 $0x1;
	s7 =	smax.u32 s7, $0x1  }
.LBB2_1:
0xa: {  	p1 =	por $0x1, $0x1;
	s12 =	simm.s32 $0x0  }
.LBB2_2:
0xb: {  	s12 =	sor.u32 s6, s12  }
0xc: {  	s13 =	sshll.u32 s12, $0x3  }
0xd: {  	s14 =	sadd.s32 s1, s13  }
0xe: {  	[tilespmem:s2], [sflag:$0x1] =	stream.linear.gather [hbm4b:s14+s2], $0x8000, $0x38;
	[tilespmem:$0x12000] =	vst v63  }
0xf: {  	_ =	swait.ge [sflag:s8], $0x8000  }
0x10: {  	[sflag:s8] =	ssyncset.done $0x0  }
0x11: {  	s23 =	simm.s32 $0x80;
	[sflag:s8] =	ssyncadd.s32 $0xFFFF8000  }
0x12: {  	v6 =	vld [tilespmem:s23+$0xFFFFFFD0]  }
0x13: {  	v7 =	vld [tilespmem:s23+$0xFFFFFFB0]  }
0x14: {  	v8 =	vld [tilespmem:s23+$0x30]  }
0x15: {  	v9 =	vld [tilespmem:s23+$0x70]  }
0x16: {  	v10 =	vld [tilespmem:s23+$0xFFFFFFF0]  }
0x17: {  	v11 =	vld [tilespmem:s23+$0x60];
	(xrf1) =	vsort.dscd.msk.f32 $0xffff, v6, v1  }
0x18: {  	v6 =	vld [tilespmem:s23+$0xFFFFFFA0];
	(xrf1) =	vsort.dscd.msk.f32 $0xffff, v7, v3  }
0x19: {  	v7 =	vld [tilespmem:s23+$0xFFFFFFC0];
	(xrf1) =	vsort.dscd.msk.f32 $0xffff, v8, v3  }
0x1a: {  	v8 =	vld [tilespmem:s23+$0x20];
	(xrf1) =	vsort.dscd.msk.f32 $0xffff, v9, v3  }
0x1b: {  	v9 =	vld [tilespmem:s23+$0xFFFFFFE0];
	(xrf1) =	vsort.dscd.msk.f32 $0xffff, v10, v3  }
0x1c: {  	v10 =	vld [tilespmem:s23+$0x10];
	(xrf1) =	vsort.dscd.msk.f32 $0xffff, v11, v2  }
0x1d: {  	v11 =	vld [tilespmem:s23+$0x50];
	(xrf1) =	vsort.dscd.msk.f32 $0xffff, v6, v2  }
0x1e: {  	v6 =	vld [tilespmem:s23+$0x40];
	(xrf1) =	vsort.dscd.msk.f32 $0xffff, v7, v0  }
0x1f: {  	v7 =	vld [tilespmem:s23+$0xFFFFFF90];
	(xrf1) =	vsort.dscd.msk.f32 $0xffff, v8, v2  }
0x20: {  	v8 =	vld [tilespmem:s23+$0x0];
	(xrf1) =	vsort.dscd.msk.f32 $0xffff, v9, v2  }
0x21: {  	(xrf1) =	vsort.dscd.msk.f32 $0xffff, v10, v1  }
0x22: {  	(xrf1) =	vsort.dscd.msk.f32 $0xffff, v11, v1  }
0x23: {  	(xrf1) =	vsort.dscd.msk.f32 $0xffff, v6, v0  }
0x24: {  	(xrf1) =	vsort.dscd.msk.f32 $0xffff, v7, v1  }
0x25: {  	v6, v7, _ =	vpop (xrf1);
	(xrf1) =	vsort.dscd.msk.f32 $0xffff, v8, v0  }
0x26: {  	v8, v9, _ =	vpop (xrf1)  }
0x27: {  	v10, v11, _ =	vpop (xrf1)  }
0x28: {  	v12, v13, _ =	vpop (xrf1)  }
0x29: {  	v16 =	vld [tilespmem:s23+$0xFFFFFF80];
	v14, v15, _ =	vpop (xrf1)  }
0x2a: {  	v17, v18, _ =	vpop (xrf1)  }
0x2b: {  	v19, v20, _ =	vpop (xrf1)  }
0x2c: {  	v12 =	vperm.xlane v12, v4;
	v13 =	vperm.xlane v13, v4;
	v21, v22, _ =	vpop (xrf1)  }
0x2d: {  	v6 =	vperm.xlane v6, v4;
	v7 =	vperm.xlane v7, v4;
	v23, v24, _ =	vpop (xrf1)  }
0x2e: {  	(xrf1) =	vsort.dscd.msk.f32 $0xffff, v16, v0;
	v12 =	vsel vm0, v17, v12;
	v13 =	vsel vm0, v18, v13;
	v17, v18, _ =	vpop (xrf1)  }
0x2f: {  	v14 =	vperm.xlane v14, v4;
	v15 =	vperm.xlane v15, v4;
	v16, v25, _ =	vpop (xrf1)  }
0x30: {  	v9 =	vperm.xlane v9, v4;
	v8 =	vperm.xlane v8, v4;
	v6 =	vsel vm0, v21, v6;
	v21, v26, _ =	vpop (xrf1)  }
0x31: {  	s24 =	simm.s32 $0x180;
	v7 =	vsel vm0, v22, v7;
	v14 =	vsel vm0, v17, v14;
	v15 =	vsel vm0, v18, v15;
	v17, v18, _ =	vpop (xrf1)  }
0x32: {  	v22 =	vperm.xlane v25, v4;
	(xrf1) =	vsort.dscd.msk.f32 $0xffff, v14, v15;
	v14 =	vld [tilespmem:s24+$0xFFFFFFD0];
	v15 =	vperm.xlane v16, v4;
	v16, v25, _ =	vpop (xrf1)  }
0x33: {  	v21 =	vperm.xlane v21, v4;
	v26 =	vperm.xlane v26, v4;
	(xrf1) =	vsort.dscd.msk.f32 $0xffff, v12, v13;
	v12, v13, _ =	vpop (xrf1)  }
0x34: {  	(xrf1) =	vsort.dscd.msk.f32 $0xffff, v6, v7;
	v12 =	vsel vm0, v12, v15;
	v15 =	vld [tilespmem:s24+$0xFFFFFFB0];
	v13 =	vsel vm0, v13, v22  }
0x35: {  	v6 =	vsel vm0, v17, v21;
	v7 =	vsel vm0, v18, v26;
	v17 =	vld [tilespmem:s24+$0x30];
	(xrf1) =	vsort.dscd.msk.f32 $0xffff, v12, v13  }
0x36: {  	v12 =	vld [tilespmem:s24+$0x70];
	(xrf1) =	vsort.dscd.msk.f32 $0xffff, v6, v7  }
0x37: {  	v6 =	vsel vm0, v19, v8;
	v7 =	vsel vm0, v20, v9;
	v8 =	vld [tilespmem:s24+$0xFFFFFFF0];
	(xrf1) =	vsort.dscd.msk.f32 $0xffff, v14, v1  }
0x38: {  	v9 =	vld [tilespmem:s24+$0x60];
	(xrf1) =	vsort.dscd.msk.f32 $0xffff, v6, v7  }
0x39: {  	v6 =	vld [tilespmem:s24+$0xFFFFFFA0];
	(xrf1) =	vsort.dscd.msk.f32 $0xffff, v15, v3  }
0x3a: {  	v11 =	vperm.xlane v11, v4;
	(xrf1) =	vsort.dscd.msk.f32 $0xffff, v17, v3  }
0x3b: {  	v7 =	vperm.xlane v16, v4;
	(xrf1) =	vsort.dscd.msk.f32 $0xffff, v12, v3;
	v12 =	vperm.xlane v25, v4  }
0x3c: {  	v10 =	vperm.xlane v10, v4;
	v11 =	vsel vm0, v24, v11;
	(xrf1) =	vsort.dscd.msk.f32 $0xffff, v8, v3;
	v8, v14, _ =	vpop (xrf1)  }
0x3d: {  	v13 =	vld [tilespmem:s24+$0xFFFFFFC0];
	(xrf1) =	vsort.dscd.msk.f32 $0xffff, v9, v2;
	v7 =	vsel vm0, v8, v7;
	v8 =	vsel vm0, v14, v12  }
0x3e: {  	v10 =	vsel vm0, v23, v10;
	v15 =	vld [tilespmem:s24+$0x20];
	(xrf1) =	vsort.dscd.msk.f32 $0xffff, v6, v2  }
0x3f: {  	v9 =	vld [tilespmem:s24+$0xFFFFFFE0];
	(xrf1) =	vsort.dscd.msk.f32 $0xffff, v7, v8  }
0x40: {  	v6 =	vld [tilespmem:s24+$0x10];
	v8, v12, _ =	vpop (xrf1);
	(xrf1) =	vsort.dscd.msk.f32 $0xffff, v10, v11  }
0x41: {  	v7 =	vld [tilespmem:s24+$0x50];
	v10, v11, _ =	vpop (xrf1)  }
0x42: {  	v14 =	vld [tilespmem:s24+$0x40];
	(xrf1) =	vsort.dscd.msk.f32 $0xffff, v13, v0;
	v16, v17, _ =	vpop (xrf1)  }
0x43: {  	v13 =	vld [tilespmem:s24+$0xFFFFFF90];
	(xrf1) =	vsort.dscd.msk.f32 $0xffff, v15, v2;
	v15, v18, _ =	vpop (xrf1)  }
0x44: {  	v19 =	vld [tilespmem:s24+$0x0];
	(xrf1) =	vsort.dscd.msk.f32 $0xffff, v9, v2;
	v9, v20, _ =	vpop (xrf1)  }
0x45: {  	(xrf1) =	vsort.dscd.msk.f32 $0xffff, v6, v1;
	v6, v21, _ =	vpop (xrf1)  }
0x46: {  	(xrf1) =	vsort.dscd.msk.f32 $0xffff, v7, v1;
	v7, v22, _ =	vpop (xrf1)  }
0x47: {  	(xrf1) =	vsort.dscd.msk.f32 $0xffff, v14, v0;
	v14, v23, _ =	vpop (xrf1)  }
0x48: {  	v10 =	vperm.xlane v10, v4;
	(xrf1) =	vsort.dscd.msk.f32 $0xffff, v13, v1;
	v13, v24, _ =	vpop (xrf1)  }
0x49: {  	(xrf1) =	vsort.dscd.msk.f32 $0xffff, v19, v0;
	v19, v25, _ =	vpop (xrf1)  }
0x4a: {  	v26, v27, _ =	vpop (xrf1)  }
0x4b: {  	v11 =	vperm.xlane v11, v4;
	v28, v29, _ =	vpop (xrf1)  }
0x4c: {  	v8 =	vperm.xlane v8, v4;
	v9 =	vsel vm0, v9, v10;
	v10, v31, _ =	vpop (xrf1)  }
0x4d: {  	v30 =	vld [tilespmem:s24+$0xFFFFFF80];
	v12 =	vperm.xlane v12, v4;
	v11 =	vsel vm0, v20, v11;
	v20 =	vperm.xlane v21, v4;
	v21, v32, _ =	vpop (xrf1)  }
0x4e: {  	v8 =	vsel vm0, v16, v8;
	v19 =	vperm.xlane v19, v4;
	v16 =	vperm.xlane v25, v4;
	v25, v33, _ =	vpop (xrf1)  }
0x4f: {  	v12 =	vsel vm0, v17, v12;
	v25 =	vperm.xlane v25, v4  }
0x50: {  	v6 =	vperm.xlane v6, v4;
	v27 =	vperm.xlane v27, v4;
	v19 =	vsel vm0, v28, v19;
	v28, v34, _ =	vpop (xrf1)  }
0x51: {  	v26 =	vperm.xlane v26, v4;
	v16 =	vsel vm0, v29, v16;
	v29 =	vperm.xlane v33, v4;
	v60, v35, _ =	vpop (xrf1)  }
0x52: {  	v23 =	vperm.xlane v23, v4;
	v14 =	vperm.xlane v14, v4;
	(xrf1) =	vsort.dscd.msk.f32 $0xffff, v30, v0;
	v17, v30, _ =	vpop (xrf1)  }
0x53: {  	(xrf1) =	vsort.dscd.msk.f32 $0xffff, v8, v12;
	v8 =	vsel vm0, v15, v25;
	v12 =	vsel vm0, v18, v29;
	v15, v18, _ =	vpop (xrf1)  }
0x54: {  	(xrf1) =	vsort.dscd.msk.f32 $0xffff, v8, v12;
	v8 =	vsel vm0, v17, v26;
	v12 =	vsel vm0, v30, v27;
	v17, v25, _ =	vpop (xrf1)  }
0x55: {  	s25 =	simm.s32 $0x280;
	v6 =	vsel vm0, v28, v6;
	v20 =	vsel vm0, v34, v20;
	(xrf1) =	vsort.dscd.msk.f32 $0xffff, v8, v12;
	v26, v27, _ =	vpop (xrf1)  }
0x56: {  	v8 =	vperm.xlane v18, v4;
	v12 =	vld [tilespmem:s25+$0xFFFFFFD0];
	v15 =	vperm.xlane v15, v4;
	(xrf1) =	vsort.dscd.msk.f32 $0xffff, v19, v16;
	v18, v28, _ =	vpop (xrf1)  }
0x57: {  	v16 =	vperm.xlane v17, v4;
	v17 =	vperm.xlane v25, v4;
	(xrf1) =	vsort.dscd.msk.f32 $0xffff, v9, v11;
	v19, v25, _ =	vpop (xrf1)  }
0x58: {  	v11 =	vld [tilespmem:s25+$0xFFFFFFB0];
	(xrf1) =	vsort.dscd.msk.f32 $0xffff, v6, v20;
	v9 =	vsel vm0, v19, v15;
	v8 =	vsel vm0, v25, v8  }
0x59: {  	v6 =	vsel vm0, v26, v16;
	v16 =	vld [tilespmem:s25+$0x30];
	v15 =	vsel vm0, v27, v17;
	(xrf1) =	vsort.dscd.msk.f32 $0xffff, v9, v8  }
0x5a: {  	v8 =	vld [tilespmem:s25+$0x70];
	(xrf1) =	vsort.dscd.msk.f32 $0xffff, v6, v15  }
0x5b: {  	v9 =	vsel vm0, v31, v23;
	v6 =	vsel vm0, v10, v14;
	v10 =	vld [tilespmem:s25+$0xFFFFFFF0];
	(xrf1) =	vsort.dscd.msk.f32 $0xffff, v12, v1  }
0x5c: {  	(xrf1) =	vsort.dscd.msk.f32 $0xffff, v6, v9;
	v6 =	vld [tilespmem:s25+$0x60]  }
0x5d: {  	(xrf1) =	vsort.dscd.msk.f32 $0xffff, v11, v3  }
0x5e: {  	v9 =	vld [tilespmem:s25+$0xFFFFFFA0];
	(xrf1) =	vsort.dscd.msk.f32 $0xffff, v16, v3  }
0x5f: {  	v14 =	vperm.xlane v28, v4;
	v12 =	vperm.xlane v18, v4;
	(xrf1) =	vsort.dscd.msk.f32 $0xffff, v8, v3  }
0x60: {  	v8, v11, _ =	vpop (xrf1);
	(xrf1) =	vsort.dscd.msk.f32 $0xffff, v10, v3  }
0x61: {  	v15, v16, _ =	vpop (xrf1);
	v10 =	vperm.xlane v24, v4;
	(xrf1) =	vsort.dscd.msk.f32 $0xffff, v6, v2;
	v6 =	vsel vm0, v8, v12  }
0x62: {  	v13 =	vperm.xlane v13, v4;
	v18 =	vld [tilespmem:s25+$0xFFFFFFC0];
	v23, v17, _ =	vpop (xrf1)  }
0x63: {  	v8 =	vsel vm0, v11, v14;
	v11 =	vld [tilespmem:s25+$0x20];
	v14, v19, _ =	vpop (xrf1);
	(xrf1) =	vsort.dscd.msk.f32 $0xffff, v9, v2  }
0x64: {  	v12 =	vsel vm0, v60, v13;
	v9 =	vld [tilespmem:s25+$0xFFFFFFE0];
	v13 =	vsel vm0, v35, v10;
	v20, v24, _ =	vpop (xrf1);
	(xrf1) =	vsort.dscd.msk.f32 $0xffff, v6, v8  }
0x65: {  	v8 =	vld [tilespmem:s25+$0x10];
	(xrf1) =	vsort.dscd.msk.f32 $0xffff, v12, v13;
	v10, v6, _ =	vpop (xrf1)  }
0x66: {  	(xrf0) =	vmax.scan.msk.f32 $0xffff, v23;
	v13 =	vld [tilespmem:s25+$0x50];
	v25, v26, _ =	vpop (xrf1)  }
0x67: {  	v28 =	vld [tilespmem:s25+$0x40];
	(xrf1) =	vsort.dscd.msk.f32 $0xffff, v18, v0;
	v18, v27, _ =	vpop (xrf1)  }
0x68: {  	v7 =	vperm.xlane v7, v4;
	(xrf1) =	vsort.dscd.msk.f32 $0xffff, v11, v2;
	v29, v30, _ =	vpop (xrf1)  }
0x69: {  	(xrf1) =	vsort.dscd.msk.f32 $0xffff, v9, v2;
	v31, v61, _ =	vpop (xrf1)  }
0x6a: {  	v7 =	vsel vm0, v21, v7;
	v9 =	vperm.xlane v22, v4;
	v22 =	vld [tilespmem:s25+$0xFFFFFF90];
	(xrf1) =	vsort.dscd.msk.f32 $0xffff, v8, v1;
	v12, v11, _ =	vpop (xrf1)  }
0x6b: {  	v8 =	vld [tilespmem:s25+$0x0];
	(xrf1) =	vsort.dscd.msk.f32 $0xffff, v13, v1;
	v62, v63, _ =	vpop (xrf1)  }
0x6c: {  	v9 =	vsel vm0, v32, v9;
	(xrf1) =	vsort.dscd.msk.f32 $0xffff, v28, v0;
	v13, v48, _ =	vpop (xrf1)  }
0x6d: {  	(xrf1) =	vsort.dscd.msk.f32 $0xffff, v7, v9;
	v7, _, _ =	vpop (xrf0)  }
0x6e: {  	(xrf0) =	vmax.scan.msk.f32 $0xffff, v15;
	v21, v28, _ =	vpop (xrf1)  }
0x6f: {  	(xrf1) =	vsort.dscd.msk.f32 $0xffff, v22, v1;
	v9, v36, _ =	vpop (xrf1)  }
0x70: {  	v41 =	vld [tilespmem:s25+$0xFFFFFF80];
	(xrf1) =	vsort.dscd.msk.f32 $0xffff, v8, v0;
	v22, v37, _ =	vpop (xrf1)  }
0x71: {  	v14 =	vperm.xlane v14, v4;
	v8 =	vperm.xlane v20, v4;
	v38, v39, _ =	vpop (xrf1)  }
0x72: {  	v40 =	vperm.xlane v19, v4;
	v21 =	vperm.xlane v21, v4;
	v20, v19, _ =	vpop (xrf1)  }
0x73: {  	v14 =	vsel vm0, v25, v14;
	v25 =	vperm.xlane v28, v4;
	v8 =	vsel vm0, v29, v8;
	v29, v42, _ =	vpop (xrf1)  }
0x74: {  	v28, _, _ =	vpop (xrf0);
	v21 =	vsel vm0, v22, v21;
	v22 =	vperm.xlane v29, v4;
	v29 =	vperm.xlane v42, v4  }
0x75: {  	v24 =	vperm.xlane v24, v4;
	v26 =	vsel vm0, v26, v40;
	v7 =	vbroadcast v7, $0xF;
	(xrf1) =	vsort.dscd.msk.f32 $0xffff, v41, v0;
	v49, v43, _ =	vpop (xrf1)  }
0x76: {  	s15 =	simm.s32 $0x8080;
	v9 =	vperm.xlane v9, v4;
	(xrf1) =	vsort.dscd.msk.f32 $0xffff, v14, v26;
	v50, v44, _ =	vpop (xrf1);
	v14 =	vsel vm0, v18, v22;
	v18 =	vbroadcast v28, $0xF  }
0x77: {  	[tilespmem:s15+$0xFFFFFFE0] =	vst v5;
	v36 =	vperm.xlane v36, v4;
	v7 =	vsub.f32 v23, v7;
	v52, v51, _ =	vpop (xrf1);
	v22 =	vsel vm0, v27, v29  }
0x78: {  	v24 =	vsel vm0, v30, v24;
	v31 =	vperm.xlane v31, v4;
	v30 =	vperm.xlane v61, v4;
	(xrf0) =	vmax.scan.msk.f32 $0xffff, v10;
	v26, v27, _ =	vpop (xrf1)  }
0x79: {  	v7 =	vmul.f32 $1.442695020e+00, v7;
	(xrf1) =	vsort.dscd.msk.f32 $0xffff, v14, v22;
	v9 =	vsel vm0, v52, v9;
	v14 =	vsel vm0, v51, v36;
	v28, v29, _ =	vpop (xrf1)  }
0x7a: {  	[tilespmem:s15+$0xFFFFFFC0] =	vst v5;
	v25 =	vsel vm0, v37, v25;
	v15 =	vsub.f32 v15, v18;
	(xrf1) =	vsort.dscd.msk.f32 $0xffff, v9, v14;
	v18, v53, _ =	vpop (xrf1)  }
0x7b: {  	(erf) = vpow2.f32 v7;
	v31 =	vsel vm0, v49, v31;
	v27 =	vperm.xlane v27, v4;
	v23, v22, _ =	vpop (xrf1);
	(xrf1) =	vsort.dscd.msk.f32 $0xffff, v21, v25  }
0x7c: {  	s26 =	simm.s32 $0x380;
	v30 =	vsel vm0, v43, v30;
	v26 =	vperm.xlane v26, v4;
	v15 =	vmul.f32 $1.442695020e+00, v15;
	(xrf0) =	vmax.scan.msk.f32 $0xffff, v23  }
0x7d: {  	v54 =	vld [tilespmem:s26+$0xFFFFFFD0];
	[tilespmem:s15+$0xFFFFFFD0] =	vst v5;
	v21 =	vperm.xlane v28, v4;
	v25 =	vperm.xlane v29, v4;
	v56, v55, _ =	vpop (xrf1);
	(xrf1) =	vsort.dscd.msk.f32 $0xffff, v8, v24  }
0x7e: {  	[tilespmem:s15+$0xFFFFFFF0] =	vst v5;
	v9 =	vperm.xlane v63, v4;
	(erf) = vpow2.f32 v15;
	v28, v29, _ =	vpop (xrf1);
	(xrf1) =	vsort.dscd.msk.f32 $0xffff, v31, v30  }
0x7f: {  	[tilespmem:s15+$0x40] =	vst v5;
	v18 =	vsel vm0, v18, v21;
	v7 =	vsel vm0, v28, v26;
	v8 =	vsel vm0, v29, v27  }
0x80: {  	[tilespmem:s15+$0x50] =	vst v5;
	v14 =	vperm.xlane v62, v4;
	v15 =	vld [tilespmem:s26+$0xFFFFFFB0];
	v21 =	vsel vm0, v53, v25;
	(xrf1) =	vsort.dscd.msk.f32 $0xffff, v7, v8  }
0x81: {  	[tilespmem:s15+$0x60] =	vst v5;
	v25, _, _ =	vpop (xrf0);
	(xrf1) =	vsort.dscd.msk.f32 $0xffff, v18, v21  }
0x82: {  	[tilespmem:s15+$0x70] =	vst v5;
	v9 =	vsel vm0, v39, v9;
	v8 =	vld [tilespmem:s26+$0x30];
	v7 =	vsel vm0, v38, v14;
	(xrf1) =	vsort.dscd.msk.f32 $0xffff, v54, v1;
	v18, _, _ =	vpop (xrf0)  }
0x83: {  	[tilespmem:s15+$0xFFFFFF80] =	vst v5;
	v14 =	vld [tilespmem:s26+$0x70];
	(xrf1) =	vsort.dscd.msk.f32 $0xffff, v7, v9;
	v7 =	vbroadcast v18, $0xF  }
0x84: {  	[tilespmem:s15+$0xFFFFFF90] =	vst v5;
	v9 =	vld [tilespmem:s26+$0xFFFFFFF0]  }
0x85: {  	[tilespmem:s15+$0xFFFFFFA0] =	vst v5;
	v27 =	vld [tilespmem:s26+$0x60];
	v29 =	vpop (erf);
	(xrf1) =	vsort.dscd.msk.f32 $0xffff, v15, v3  }
0x86: {  	[tilespmem:s15+$0xFFFFFFB0] =	vst v5;
	v28 =	vperm.xlane v55, v4;
	v25 =	vbroadcast v25, $0xF;
	v18, v26, _ =	vpop (xrf1);
	v15 =	vsub.f32 v23, v7  }
0x87: {  	[tilespmem:s15+$0x20] =	vst v5;
	(xrf1) =	vsort.dscd.msk.f32 $0xffff, v8, v3;
	v23 =	vld [tilespmem:s26+$0xFFFFFFA0];
	v30 =	vpop (erf)  }
0x88: {  	v25 =	vsub.f32 v10, v25;
	v21, v7, _ =	vpop (xrf1);
	(xrf1) =	vsort.dscd.msk.f32 $0xffff, v14, v3;
	v14 =	vmul.f32 $1.442695020e+00, v15;
	v15 =	vperm.xlane v56, v4  }
0x89: {  	[tilespmem:s15+$0x0] =	vst v5;
	v13 =	vperm.xlane v13, v4;
	v24, v8, _ =	vpop (xrf1);
	(xrf1) =	vsort.dscd.msk.f32 $0xffff, v9, v3  }
0x8a: {  	v25 =	vmul.f32 $1.442695020e+00, v25;
	v15 =	vsel vm0, v18, v15;
	v18 =	vsel vm0, v26, v28;
	v26 =	vld [tilespmem:s26+$0xFFFFFFC0];
	v28, v57, _ =	vpop (xrf1);
	(xrf1) =	vsort.dscd.msk.f32 $0xffff, v27, v2  }
0x8b: {  	[tilespmem:s15+$0x10] =	vst v5;
	(erf) = vpow2.f32 v14;
	v27 =	vperm.xlane v48, v4;
	(xrf0) =	vmax.scan.msk.f32 $0xffff, v24;
	v59, v58, _ =	vpop (xrf1)  }
0x8c: {  	[tilespmem:s15+$0x30] =	vst v5;
	(xrf1) =	vsort.dscd.msk.f32 $0xffff, v23, v2;
	v14, v9, _ =	vpop (xrf1)  }
0x8d: {  	s28 =	simm.s32 $0x8180;
	v13 =	vsel vm0, v50, v13;
	(erf) = vpow2.f32 v25;
	(xrf1) =	vsort.dscd.msk.f32 $0xffff, v15, v18;
	v15 =	vld [tilespmem:s26+$0x20];
	v18 =	vsel vm0, v44, v27;
	v61, v60, _ =	vpop (xrf1)  }
0x8e: {  	[tilespmem:s28+$0xFFFFFFE0] =	vst v5;
	v27 =	vld [tilespmem:s26+$0xFFFFFFE0];
	(xrf1) =	vsort.dscd.msk.f32 $0xffff, v13, v18;
	v37, v62, _ =	vpop (xrf1)  }
0x8f: {  	[tilespmem:s28+$0xFFFFFFC0] =	vst v5;
	v18 =	vld [tilespmem:s26+$0x10];
	v13 =	vnsel vm0, $0x0, v30;
	(xrf1) =	vsort.dscd.msk.f32 $0xffff, v26, v0;
	v26, v63, _ =	vpop (xrf1)  }
0x90: {  	[tilespmem:s28+$0xFFFFFFD0] =	vst v5;
	v51 =	vld [tilespmem:s26+$0x50];
	(xrf2) =	vadd.scan.msk.f32 $0xffff, v13;
	v30, v41, _ =	vpop (xrf1)  }
0x91: {  	[tilespmem:s28+$0xFFFFFFF0] =	vst v5;
	v52 =	vld [tilespmem:s26+$0x40];
	v55, _, _ =	vpop (xrf0);
	(xrf0) =	vmax.scan.msk.f32 $0xffff, v21  }
0x92: {  	[tilespmem:s28+$0x20] =	vst v5;
	v12 =	vperm.xlane v12, v4;
	v31, v23, _ =	vpop (xrf1);
	(xrf1) =	vsort.dscd.msk.f32 $0xffff, v15, v2  }
0x93: {  	[tilespmem:s28+$0x0] =	vst v5;
	v11 =	vperm.xlane v11, v4;
	v28 =	vperm.xlane v28, v4;
	v44, v10, _ =	vpop (xrf1);
	(xrf1) =	vsort.dscd.msk.f32 $0xffff, v27, v2;
	v27 =	vld [tilespmem:s26+$0xFFFFFF90]  }
0x94: {  	[tilespmem:s28+$0x10] =	vst v5;
	v12 =	vsel vm0, v20, v12;
	v20 =	vld [tilespmem:s26+$0x0];
	v32 =	vperm.xlane v59, v4;
	v53 =	vpop (erf);
	(xrf1) =	vsort.dscd.msk.f32 $0xffff, v18, v1  }
0x95: {  	[tilespmem:s28+$0x30] =	vst v5;
	v11 =	vsel vm0, v19, v11;
	v19 =	vld [tilespmem:s26+$0xFFFFFF80];
	v28 =	vsel vm0, v61, v28;
	v15, v18, _ =	vpop (xrf1);
	(xrf1) =	vsort.dscd.msk.f32 $0xffff, v51, v1  }
0x96: {  	v32 =	vsel vm0, v26, v32;
	v26 =	vnsel vm0, $0x0, v29;
	v29 =	vperm.xlane v58, v4;
	v61 =	vpop (erf);
	(xrf1) =	vsort.dscd.msk.f32 $0xffff, v52, v0  }
0x97: {  	[tilespmem:s28+$0x40] =	vst v5;
	v54, v45, _ =	vpop (xrf1);
	(xrf1) =	vsort.dscd.msk.f32 $0xffff, v12, v11  }
0x98: {  	[tilespmem:s28+$0x50] =	vst v5;
	v39 =	vsel vm0, v63, v29;
	v63 =	vbroadcast v55, $0xF;
	v59, _, _ =	vpop (xrf0);
	(xrf1) =	vsort.dscd.msk.f32 $0xffff, v27, v1  }
0x99: {  	[tilespmem:s28+$0x60] =	vst v5;
	v25, v46, _ =	vpop (xrf1);
	(xrf1) =	vsort.dscd.msk.f32 $0xffff, v20, v0  }
0x9a: {  	[tilespmem:s28+$0x70] =	vst v5;
	v33 =	vperm.xlane v57, v4;
	v24 =	vsub.f32 v24, v63;
	v11, v12, _ =	vpop (xrf1);
	(xrf1) =	vsort.dscd.msk.f32 $0xffff, v19, v0  }
0x9b: {  	[tilespmem:s28+$0xFFFFFF80] =	vst v5;
	v36 =	vperm.xlane v30, v4;
	v19, _, _ =	vpop (xrf2);
	(xrf2) =	vadd.scan.msk.f32 $0xffff, v26  }
0x9c: {  	[tilespmem:s28+$0xFFFFFF90] =	vst v5;
	v33 =	vsel vm0, v60, v33;
	v24 =	vmul.f32 $1.442695020e+00, v24;
	v30 =	vperm.xlane v54, v4;
	v47, v48, _ =	vpop (xrf1)  }
0x9d: {  	[tilespmem:s28+$0xFFFFFFA0] =	vst v5;
	v35 =	vbroadcast v59, $0xF;
	v20, v27, _ =	vpop (xrf1)  }
0x9e: {  	[tilespmem:s28+$0xFFFFFFB0] =	vst v5;
	v49 =	vperm.xlane v25, v4;
	(erf) = vpow2.f32 v24;
	v56, v57, _ =	vpop (xrf1)  }
0x9f: {  	v29 =	vnsel vm0, $0x0, v53;
	(xrf1) =	vsort.dscd.msk.f32 $0xffff, v28, v33;
	v28 =	vperm.xlane v56, v4;
	v58 =	vperm.xlane v57, v4;
	v33, v40, _ =	vpop (xrf1)  }
0xa0: {  	(xrf0) =	vmax.scan.msk.f32 $0xffff, v14;
	v11 =	vsel vm0, v11, v30;
	v56 =	vbroadcast v19, $0xF;
	v19 =	vsub.f32 v21, v35;
	v30, v25, _ =	vpop (xrf1)  }
0xa1: {  	s14 =	simm.s32 $0x8280;
	(xrf2) =	vadd.scan.msk.f32 $0xffff, v29;
	v28 =	vsel vm0, v37, v28;
	v34 =	vsel vm0, v62, v58;
	v62 =	vperm.xlane v46, v4;
	v51, v50, _ =	vpop (xrf1)  }
0xa2: {  	[tilespmem:s14+$0xFFFFFFE0] =	vst v5;
	v60 =	vperm.xlane v45, v4;
	(xrf1) =	vsort.dscd.msk.f32 $0xffff, v28, v34;
	v28 =	vnsel vm0, $0x0, v61;
	v52, v53, _ =	vpop (xrf1)  }
0xa3: {  	[tilespmem:s14+$0xFFFFFFC0] =	vst v5;
	(xrf2) =	vadd.scan.msk.f32 $0xffff, v28;
	v34 =	vsel vm0, v51, v49;
	v37 =	vsel vm0, v50, v62;
	v55, v54, _ =	vpop (xrf1)  }
0xa4: {  	[tilespmem:s14+$0xFFFFFFD0] =	vst v5;
	v12 =	vsel vm0, v12, v60;
	(xrf1) =	vsort.dscd.msk.f32 $0xffff, v34, v37;
	v21, v57, _ =	vpop (xrf1)  }
0xa5: {  	[tilespmem:s14+$0xFFFFFFF0] =	vst v5;
	(xrf1) =	vsort.dscd.msk.f32 $0xffff, v11, v12;
	v12 =	vmul.f32 $1.442695020e+00, v19;
	v19, _, _ =	vpop (xrf2)  }
0xa6: {  	[tilespmem:s14+$0x40] =	vst v5;
	v41 =	vperm.xlane v41, v4;
	v37, v11, _ =	vpop (xrf1)  }
0xa7: {  	[tilespmem:s14+$0x50] =	vst v5;
	v31 =	vperm.xlane v31, v4;
	v49, _, _ =	vpop (xrf0);
	v19 =	vbroadcast v19, $0xF;
	(xrf0) =	vmax.scan.msk.f32 $0xffff, v37  }
0xa8: {  	[tilespmem:s14+$0x60] =	vst v5;
	v60 =	vperm.xlane v52, v4;
	v24, v59, _ =	vpop (xrf1);
	(erf) = vpow2.f32 v12  }
0xa9: {  	[tilespmem:s14+$0x70] =	vst v5;
	v33 =	vsel vm0, v33, v36;
	v58 =	vperm.xlane v53, v4;
	(erf) = vrcp.f32 v19;
	v12, v61, _ =	vpop (xrf1)  }
0xaa: {  	s18 =	simm.s32 $0x480;
	[tilespmem:s14+$0xFFFFFF80] =	vst v5;
	v50 =	vperm.xlane v44, v4;
	v44 =	vpop (erf);
	v38 =	vperm.xlane v55, v4;
	v12 =	vsel vm0, v12, v60  }
0xab: {  	[tilespmem:s14+$0xFFFFFF90] =	vst v5;
	v63 =	vld [tilespmem:s18+$0xFFFFFFD0];
	v40 =	vsel vm0, v40, v41;
	(xrf1) =	vsort.dscd.msk.f32 $0xffff, v32, v39;
	v62, _, _ =	vpop (xrf2);
	v19 =	vsel vm0, v61, v58  }
0xac: {  	v42 =	vperm.xlane v54, v4;
	(xrf1) =	vsort.dscd.msk.f32 $0xffff, v33, v40;
	v33 =	vbroadcast v62, $0xF;
	v21 =	vsel vm0, v21, v38;
	v32, v39, _ =	vpop (xrf1)  }
0xad: {  	[tilespmem:s14+$0xFFFFFFA0] =	vst v5;
	v20 =	vsel vm0, v20, v31;
	v31 =	vld [tilespmem:s18+$0xFFFFFFB0];
	(erf) = vrcp.f32 v56;
	v52, _, _ =	vpop (xrf0)  }
0xae: {  	v51 =	vperm.xlane v10, v4;
	v53 =	vld [tilespmem:s18+$0x30];
	v34 =	vsel vm0, v57, v42;
	(erf) = vrcp.f32 v33;
	(xrf1) =	vsort.dscd.msk.f32 $0xffff, v12, v19;
	v19, v12, _ =	vpop (xrf1)  }
0xaf: {  	[tilespmem:s14+$0xFFFFFFB0] =	vst v5;
	v43 =	vld [tilespmem:s18+$0x70];
	(xrf1) =	vsort.dscd.msk.f32 $0xffff, v21, v34;
	v21, _, _ =	vpop (xrf2)  }
0xb0: {  	v45 =	vld [tilespmem:s18+$0xFFFFFFF0];
	v40 =	vsel vm0, v47, v50;
	v33 =	vsel vm0, v48, v51;
	v60 =	vbroadcast v21, $0xF;
	v21, v10, _ =	vpop (xrf1);
	(xrf1) =	vsort.dscd.msk.f32 $0xffff, v63, v1  }
0xb1: {  	s29 =	simm.s32 $0x80;
	[tilespmem:s14+$0x20] =	vst v5;
	v63 =	vld [tilespmem:s18+$0x60];
	v62 =	vpop (erf);
	(xrf1) =	vsort.dscd.msk.f32 $0xffff, v40, v33  }
0xb2: {  	v23 =	vperm.xlane v23, v4;
	v38 =	vadd.s32 s29, v17;
	v54 =	vbroadcast v52, $0xF;
	v55 =	vpop (erf);
	(xrf1) =	vsort.dscd.msk.f32 $0xffff, v31, v3  }
0xb3: {  	[tilespmem:s14+$0x0] =	vst v5;
	v24 =	vperm.xlane v24, v4;
	(xrf1) =	vsort.dscd.msk.f32 $0xffff, v53, v3;
	v26 =	vmul.f32 v55, v26  }
0xb4: {  	s16 =	simm.s32 $0x0;
	v36 =	vperm.xlane v59, v4;
	v33 =	vsub.f32 v37, v54;
	(erf) = vrcp.f32 v60;
	(xrf1) =	vsort.dscd.msk.f32 $0xffff, v43, v3  }
0xb5: {  	v59 =	vadd.s32 s16, v22;
	v56 =	vld [tilespmem:s18+$0xFFFFFFA0];
	v61 =	vbroadcast v49, $0xF;
	v51 =	vperm.xlane v18, v4;
	v35, v57, _ =	vpop (xrf1);
	(xrf1) =	vsort.dscd.msk.f32 $0xffff, v45, v3  }
0xb6: {  	s30 =	simm.s32 $0x40;
	v32 =	vsel vm0, v32, v24;
	v24 =	vsel vm0, v27, v23;
	v60 =	vpop (erf);
	(xrf1) =	vsort.dscd.msk.f32 $0xffff, v63, v2;
	v63 =	vmul.f32 $1.442695020e+00, v33  }
0xb7: {  	v41 =	vld [tilespmem:s18+$0xFFFFFFE0];
	v58 =	vadd.s32 s30, v16;
	v23 =	vsub.f32 v14, v61;
	v34 =	vmul.f32 v60, v13;
	[tilespmem:v38+s9+$0x0] =	vst.idx.msk $0xff, v26;
	v26 =	vpop (erf)  }
0xb8: {  	s19 =	simm.s32 $0x30;
	[tilespmem:s14+$0x10] =	vst v5;
	v50 =	vld [tilespmem:s18+$0xFFFFFFC0];
	v13 =	vnsel vm0, $0x0, v62;
	v62 =	vmul.f32 v26, v29;
	(erf) = vpow2.f32 v63  }
0xb9: {  	v42 =	vld [tilespmem:s18+$0x0];
	v36 =	vsel vm0, v39, v36;
	v61 =	vperm.xlane v15, v4;
	v39, v37, _ =	vpop (xrf1);
	[tilespmem:s19+$0xFFF0] =	vst v17  }
0xba: {  	s31 =	simm.s32 $0xC0;
	v27 =	vld [tilespmem:s18+$0x20];
	v18, v15, _ =	vpop (xrf1);
	v33 =	vmul.f32 $1.442695020e+00, v23;
	v23 =	vsel vm0, v25, v51;
	(xrf1) =	vsort.dscd.msk.f32 $0xffff, v56, v2;
	[tilespmem:v59+s9+$0x0] =	vst.idx.msk $0xff, v62  }
0xbb: {  	v31 =	vld [tilespmem:s18+$0x50];
	v17, v29, _ =	vpop (xrf1);
	(xrf1) =	vsort.dscd.msk.f32 $0xffff, v32, v36;
	[tilespmem:s19+$0xFFD0] =	vst v22;
	v22 =	vadd.s32 s31, v6  }
0xbc: {  	[tilespmem:s14+$0x30] =	vst v5;
	v30 =	vsel vm0, v30, v61;
	v43 =	vld [tilespmem:s18+$0x40];
	v26, v25, _ =	vpop (xrf1)  }
0xbd: {  	s17 =	simm.s32 $0x1C0;
	p0 =	por p1, p1;
	v14 =	vnsel vm0, $0x0, v44;
	v38 =	vld [tilespmem:s18+$0x10];
	[tilespmem:v58+s9+$0x0] =	vst.idx.msk $0xff, v34;
	(xrf1) =	vsort.dscd.msk.f32 $0xffff, v30, v23;
	v23 =	vpop (erf)  }
0xbe: {  	s20 =	simm.s32 $0x10;
	s15 =	simm.s32 $0x2C0;
	s16 =	simm.s32 $0x2C0;
	v34 =	vld [tilespmem:s18+$0xFFFFFF90];
	v32 =	vperm.xlane v57, v4;
	[tilespmem:s19+$0xFFE0] =	vst v16;
	(xrf1) =	vsort.dscd.msk.f32 $0xffff, v50, v0;
	v23 =	vmul.f32 v23, v28;
	v40, v36, _ =	vpop (xrf1)  }
.LBB2_3:
0xbf: {  	s20 =	sadd.s32 $0x4, s20;
	v30, v44, _ =	vpop (xrf1);
	v35 =	vperm.xlane v35, v4;
	s15 =	sadd.s32 $0x100, s15;
	s14 =	sadd.s32 $0x100, s14;
	(xrf0) =	vmax.scan.msk.f32 $0xffff, v21;
	v16 =	vmov v12  }
0xc0: {  	v12 =	vperm.xlane v39, v4;
	v37 =	vperm.xlane v37, v4;
	p1 =	slt.u32 s20, $0x1FC;
	v39, v28, _ =	vpop (xrf1);
	(xrf2) =	vadd.scan.msk.f32 $0xffff, v13;
	[tilespmem:v22+s9+$0x0] =	vst.idx.msk $0xff, v23  }
0xc1: {  	v30 =	vperm.xlane v30, v4;
	(xrf1) =	vsort.dscd.msk.f32 $0xffff, v27, v2;
	v27 =	vpop (erf);
	[tilespmem:s19+$0x10000] =	vst v6;
	v6 =	vmov v9  }
0xc2: {  	v12 =	vsel vm0, v40, v12;
	v37 =	vsel vm0, v36, v37;
	v45 =	vld [tilespmem:s18+$0xFFFFFF80];
	v46, v47, _ =	vpop (xrf1);
	(xrf1) =	vsort.dscd.msk.f32 $0xffff, v41, v2;
	[tilespmem:s14+$0xFFFFFF80] =	vst v5  }
0xc3: {  	v35 =	vsel vm0, v17, v35;
	v17 =	vnsel vm0, $0x0, v27;
	(xrf1) =	vsort.dscd.msk.f32 $0xffff, v38, v1;
	v22, v23, _ =	vpop (xrf1);
	[tilespmem:s14+$0xFFFFFFE0] =	vst v5  }
0xc4: {  	v9 =	vmov v15;
	(xrf1) =	vsort.dscd.msk.f32 $0xffff, v31, v1;
	v27, v31, _ =	vpop (xrf1);
	[tilespmem:s14+$0xFFFFFFC0] =	vst v5  }
0xc5: {  	v15 =	vperm.xlane v44, v4;
	(xrf1) =	vsort.dscd.msk.f32 $0xffff, v43, v0;
	[tilespmem:s14+$0xFFFFFFD0] =	vst v5;
	v36, _, _ =	vpop (xrf0);
	(erf) = vpow2.f32 v33  }
0xc6: {  	v27 =	vperm.xlane v27, v4;
	v40 =	vperm.xlane v31, v4;
	v33, v38, _ =	vpop (xrf1);
	[tilespmem:s14+$0xFFFFFF90] =	vst v5;
	(xrf1) =	vsort.dscd.msk.f32 $0xffff, v20, v24  }
0xc7: {  	v29 =	vsel vm0, v29, v32;
	v20, v24, _ =	vpop (xrf1);
	[tilespmem:s14+$0xFFFFFFF0] =	vst v5;
	(xrf0) =	vmax.scan.msk.f32 $0xffff, v19  }
0xc8: {  	v27 =	vsel vm0, v20, v27;
	v24 =	vsel vm0, v24, v40;
	(xrf1) =	vsort.dscd.msk.f32 $0xffff, v34, v1;
	v31, v34, _ =	vpop (xrf1);
	[tilespmem:s14+$0xFFFFFFA0] =	vst v5  }
0xc9: {  	v40 =	vperm.xlane v47, v4;
	v20 =	vperm.xlane v39, v4;
	(xrf1) =	vsort.dscd.msk.f32 $0xffff, v42, v0;
	[tilespmem:s14+$0x20] =	vst v5;
	v39, v41, _ =	vpop (xrf1)  }
0xca: {  	v33 =	vperm.xlane v33, v4;
	v42 =	vperm.xlane v46, v4;
	(xrf1) =	vsort.dscd.msk.f32 $0xffff, v45, v0;
	[tilespmem:s14+$0x0] =	vst v5;
	v43, _, _ =	vpop (xrf2)  }
0xcb: {  	v38 =	vperm.xlane v38, v4;
	v20 =	vsel vm0, v39, v20;
	v34 =	vsel vm0, v34, v40;
	v32, v39, _ =	vpop (xrf1);
	(xrf2) =	vadd.scan.msk.f32 $0xffff, v14  }
0xcc: {  	v44, v45, _ =	vpop (xrf1);
	v46 =	vperm.xlane v32, v4;
	v39 =	vperm.xlane v39, v4;
	[tilespmem:s14+$0x10] =	vst v5;
	(xrf1) =	vsort.dscd.msk.f32 $0xffff, v35, v29  }
0xcd: {  	v29 =	vsel vm0, v31, v42;
	v31 =	vsel vm0, v44, v30;
	v15 =	vsel vm0, v45, v15;
	[tilespmem:s14+$0x30] =	vst v5;
	v30, _, _ =	vpop (xrf0)  }
0xce: {  	v35 =	vbroadcast v36, $0xF;
	[tilespmem:s14+$0xFFFFFFB0] =	vst v5;
	v26 =	vsel vm0, v26, v46;
	v30 =	vbroadcast v30, $0xF;
	v32 =	vpop (erf)  }
0xcf: {  	v25 =	vsel vm0, v25, v39;
	v39 =	vbroadcast v43, $0xF;
	v40, v42, _ =	vpop (xrf1);
	(xrf2) =	vadd.scan.msk.f32 $0xffff, v17  }
0xd0: {  	v36, v43, _ =	vpop (xrf1);
	[tilespmem:s14+$0x40] =	vst v5;
	(xrf1) =	vsort.dscd.msk.f32 $0xffff, v26, v25;
	v19 =	vsub.f32 v19, v30;
	v30 =	vnsel vm0, $0x0, v32  }
0xd1: {  	v21 =	vsub.f32 v21, v35;
	v25 =	vsel vm0, v36, v33;
	v26 =	vsel vm0, v43, v38;
	v32, v33, _ =	vpop (xrf1);
	[tilespmem:s14+$0x50] =	vst v5  }
0xd2: {  	v33 =	vperm.xlane v33, v4;
	v35, v36, _ =	vpop (xrf1);
	[tilespmem:s14+$0x60] =	vst v5;
	v19 =	vmul.f32 $1.442695020e+00, v19;
	(xrf2) =	vadd.scan.msk.f32 $0xffff, v30  }
0xd3: {  	v35 =	vperm.xlane v35, v4;
	v38 =	vperm.xlane v36, v4;
	v43, v44, _ =	vpop (xrf1);
	[tilespmem:s14+$0x70] =	vst v5  }
0xd4: {  	s18 =	sadd.s32 $0x100, s18;
	v21 =	vmul.f32 $1.442695020e+00, v21;
	(xrf1) =	vsort.dscd.msk.f32 $0xffff, v25, v26;
	v25, v36, _ =	vpop (xrf1)  }
0xd5: {  	v48 =	vperm.xlane v32, v4;
	v26 =	vld [tilespmem:s18+$0xFFFFFFD0];
	v35 =	vsel vm0, v43, v35;
	v38 =	vsel vm0, v44, v38;
	(xrf0) =	vmax.scan.msk.f32 $0xffff, v18;
	v43, _, _ =	vpop (xrf2)  }
0xd6: {  	v44 =	vld [tilespmem:s18+$0x70];
	v47, v46, _ =	vpop (xrf1);
	(xrf1) =	vsort.dscd.msk.f32 $0xffff, v27, v24;
	(erf) = vpow2.f32 v21;
	v21 =	vbroadcast v43, $0xF  }
0xd7: {  	s19 =	sadd.s32 $0xFFFFFF40, s17;
	v43 =	vld [tilespmem:s18+$0x30];
	v24 =	vperm.xlane v47, v4;
	v27, v45, _ =	vpop (xrf1);
	(xrf0) =	vmax.scan.msk.f32 $0xffff, v25;
	(erf) = vpow2.f32 v19  }
0xd8: {  	v47 =	vld [tilespmem:s18+$0xFFFFFFF0];
	v49 =	vsel vm0, v27, v48;
	v27, v32, _ =	vpop (xrf1);
	(xrf1) =	vsort.dscd.msk.f32 $0xffff, v12, v37;
	v48 =	vadd.s32 s19, v11;
	(erf) = vrcp.f32 v21  }
0xd9: {  	v50 =	vperm.xlane v46, v4;
	v33 =	vsel vm0, v45, v33;
	v37 =	vld [tilespmem:s18+$0xFFFFFFB0];
	(xrf1) =	vsort.dscd.msk.f32 $0xffff, v31, v15;
	v15, _, _ =	vpop (xrf2)  }
0xda: {  	v45 =	vsel vm0, v27, v24;
	(xrf1) =	vsort.dscd.msk.f32 $0xffff, v49, v33;
	v19, v12, _ =	vpop (xrf1);
	v33 =	vbroadcast v15, $0xF;
	(erf) = vrcp.f32 v39  }
0xdb: {  	v49 =	vsel vm0, v32, v50;
	v46 =	vld [tilespmem:s18+$0x60];
	v21, _, _ =	vpop (xrf0)  }
0xdc: {  	v24 =	vperm.xlane v28, v4;
	v27 =	vld [tilespmem:s18+$0x20];
	(xrf1) =	vsort.dscd.msk.f32 $0xffff, v35, v38;
	(erf) = vrcp.f32 v33;
	v15, _, _ =	vpop (xrf2)  }
0xdd: {  	v32 =	vbroadcast v21, $0xF;
	v28 =	vld [tilespmem:s18+$0xFFFFFFC0];
	(xrf1) =	vsort.dscd.msk.f32 $0xffff, v26, v1;
	v31, _, _ =	vpop (xrf0);
	v15 =	vbroadcast v15, $0xF  }
0xde: {  	(xrf1) =	vsort.dscd.msk.f32 $0xffff, v29, v34;
	v29 =	vbroadcast v31, $0xF;
	_ =	sdelay $0x1  }
0xdf: {  	s19 =	sadd.s32 $0xFFFFFFC0, s17;
	v24 =	vsel vm0, v41, v24;
	v21, v50, _ =	vpop (xrf1);
	v34 =	vsub.f32 v18, v32  }
0xe0: {  	v32 =	vadd.s32 s19, v8;
	v26 =	vpop (erf);
	v25 =	vsub.f32 v25, v29  }
0xe1: {  	v51 =	vld [tilespmem:s18+$0xFFFFFFA0];
	(xrf1) =	vsort.dscd.msk.f32 $0xffff, v37, v3;
	v26 =	vnsel vm0, $0x0, v26;
	v33 =	vmul.f32 $1.442695020e+00, v34;
	v29 =	vpop (erf);
	(erf) = vrcp.f32 v15  }
0xe2: {  	s19 =	sadd.s32 $0xFFFFFF80, s17;
	v15 =	vperm.xlane v23, v4;
	v25 =	vmul.f32 $1.442695020e+00, v25;
	v31 =	vld [tilespmem:s18+$0x50];
	(xrf1) =	vsort.dscd.msk.f32 $0xffff, v43, v3;
	v23 =	vnsel vm0, $0x0, v29;
	v18 =	vpop (erf)  }
0xe3: {  	v22 =	vperm.xlane v22, v4;
	v43 =	vadd.s32 s19, v7;
	(xrf1) =	vsort.dscd.msk.f32 $0xffff, v44, v3;
	v35, v29, _ =	vpop (xrf1)  }
0xe4: {  	v52 =	vmul.f32 v18, v14;
	v14 =	vmov v26;
	v38 =	vld [tilespmem:s18+$0x10];
	v44 =	vpop (erf)  }
0xe5: {  	v40 =	vsel vm0, v40, v22;
	v42 =	vsel vm0, v42, v15;
	v41 =	vld [tilespmem:s18+$0xFFFFFFE0];
	(xrf1) =	vsort.dscd.msk.f32 $0xffff, v47, v3;
	v39, v37, _ =	vpop (xrf1);
	(erf) = vpow2.f32 v25  }
0xe6: {  	s19 =	sshra.s32 s17, $0x2;
	v22 =	vmul.f32 v44, v13;
	v13 =	vmov v23;
	v34 =	vld [tilespmem:s18+$0xFFFFFF90];
	(xrf1) =	vsort.dscd.msk.f32 $0xffff, v46, v2;
	[tilespmem:v32+s9+$0x0] =	vst.idx.msk $0xff, v52;
	v25 =	vpop (erf)  }
.Ltmp0:
0xe7: {  	v32 =	vperm.xlane v29, v4;
	(xrf1) =	vsort.dscd.msk.f32 $0xffff, v51, v2;
	v18, v15, _ =	vpop (xrf1);
	v44 =	vmul.f32 v25, v17;
	[tilespmem:s19+$0xFFF0] =	vst v8;
	(pc) =	sbr.rel @p1 .LBB2_3-.Ltmp0, $4  }
0xe8: {  	v8 =	vmov v10;
	(xrf1) =	vsort.dscd.msk.f32 $0xffff, v45, v49;
	v17, v29, _ =	vpop (xrf1);
	[tilespmem:v43+s9+$0x0] =	vst.idx.msk $0xff, v22;
	v22 =	vadd.s32 s17, v6;
	s17 =	smov.u32 s16;
	s16 =	smov.u32 s15  }
0xe9: {  	v10 =	vmov v50;
	v26, v25, _ =	vpop (xrf1);
	[tilespmem:v48+s9+$0x0] =	vst.idx.msk $0xff, v44  }
0xea: {  	v43 =	vld [tilespmem:s18+$0x40];
	(xrf1) =	vsort.dscd.msk.f32 $0xffff, v40, v42;
	[tilespmem:s19+$0xFFD0] =	vst v11;
	v23 =	vpop (erf);
	v11 =	vmov v36  }
0xeb: {  	v42 =	vld [tilespmem:s18+$0x0];
	(xrf1) =	vsort.dscd.msk.f32 $0xffff, v28, v0;
	v40, v36, _ =	vpop (xrf1);
	[tilespmem:s19+$0xFFE0] =	vst v7;
	v23 =	vmul.f32 v23, v30;
	v7 =	vmov v16  }
0xec: {  	(xrf0) =	vmax.scan.msk.f32 $0xffff, v21  }
0xed: {  	v16, v28, _ =	vpop (xrf1);
	(xrf2) =	vadd.scan.msk.f32 $0xffff, v13  }
0xee: {  	(xrf1) =	vsort.dscd.msk.f32 $0xffff, v27, v2;
	v30, v44, _ =	vpop (xrf1)  }
0xef: {  	(xrf1) =	vsort.dscd.msk.f32 $0xffff, v41, v2;
	v60 =	vpop (erf)  }
0xf0: {  	(erf) = vpow2.f32 v33;
	(xrf0) =	vmax.scan.msk.f32 $0xffff, v19;
	v45, v46, _ =	vpop (xrf1)  }
0xf1: {  	(xrf1) =	vsort.dscd.msk.f32 $0xffff, v38, v1;
	v38, v41, _ =	vpop (xrf1)  }
0xf2: {  	(xrf1) =	vsort.dscd.msk.f32 $0xffff, v31, v1;
	v61, v47, _ =	vpop (xrf1)  }
0xf3: {  	(xrf1) =	vsort.dscd.msk.f32 $0xffff, v43, v0;
	v43, _, _ =	vpop (xrf0)  }
0xf4: {  	(xrf2) =	vadd.scan.msk.f32 $0xffff, v14;
	v62, v49, _ =	vpop (xrf1)  }
0xf5: {  	v48 =	vld [tilespmem:s18+$0xFFFFFF80];
	(xrf1) =	vsort.dscd.msk.f32 $0xffff, v20, v24;
	v63, v50, _ =	vpop (xrf1)  }
0xf6: {  	(xrf1) =	vsort.dscd.msk.f32 $0xffff, v34, v1;
	v34, v51, _ =	vpop (xrf1)  }
0xf7: {  	v55 =	vperm.xlane v35, v4;
	(xrf1) =	vsort.dscd.msk.f32 $0xffff, v42, v0;
	v35, v42, _ =	vpop (xrf1)  }
0xf8: {  	v56 =	vsel vm0, v29, v32;
	v31 =	vperm.xlane v61, v4;
	v20 =	vnsel vm0, $0x0, v60;
	v29, v32, _ =	vpop (xrf1)  }
0xf9: {  	v43 =	vbroadcast v43, $0xF;
	(xrf2) =	vadd.scan.msk.f32 $0xffff, v20;
	v61 =	vpop (erf);
	v58 =	vperm.xlane v32, v4  }
0xfa: {  	v17 =	vsel vm0, v17, v55;
	(xrf1) =	vsort.dscd.msk.f32 $0xffff, v48, v0;
	v24 =	vnsel vm0, $0x0, v61;
	v57 =	vperm.xlane v29, v4  }
0xfb: {  	v59, _, _ =	vpop (xrf0);
	v33 =	vperm.xlane v62, v4;
	v55 =	vsub.f32 v21, v43;
	(xrf2) =	vadd.scan.msk.f32 $0xffff, v24;
	v25 =	vsel vm0, v25, v58  }
0xfc: {  	v62 =	vperm.xlane v49, v4;
	v48, _, _ =	vpop (xrf2);
	(xrf1) =	vsort.dscd.msk.f32 $0xffff, v17, v56;
	v17 =	vsel vm0, v26, v57  }
0xfd: {  	v21 =	vmul.f32 $1.442695020e+00, v55;
	v52, v53, _ =	vpop (xrf1);
	v29 =	vbroadcast v59, $0xF  }
0xfe: {  	v26, v27, _ =	vpop (xrf1)  }
0xff: {  	v39 =	vperm.xlane v39, v4;
	(erf) = vpow2.f32 v21;
	v57 =	vsub.f32 v19, v29;
	(xrf1) =	vsort.dscd.msk.f32 $0xffff, v17, v25;
	v17, v25, _ =	vpop (xrf1)  }
0x100: {  	v37 =	vperm.xlane v37, v4;
	(xrf0) =	vmax.scan.msk.f32 $0xffff, v18;
	v60 =	vperm.xlane v47, v4;
	v31 =	vsel vm0, v63, v31;
	v54, v63, _ =	vpop (xrf1)  }
0x101: {  	v16 =	vperm.xlane v16, v4;
	v28 =	vperm.xlane v28, v4;
	v25 =	vsel vm0, v25, v62;
	v62, _, _ =	vpop (xrf2)  }
0x102: {  	v46 =	vperm.xlane v46, v4;
	v32 =	vsel vm0, v50, v60;
	v19 =	vmul.f32 $1.442695020e+00, v57;
	v56, v47, _ =	vpop (xrf1)  }
0x103: {  	v60 =	vsel vm0, v40, v39;
	v58 =	vperm.xlane v45, v4;
	v17 =	vsel vm0, v17, v33;
	v57, _, _ =	vpop (xrf2)  }
0x104: {  	v36 =	vsel vm0, v36, v37;
	v45 =	vbroadcast v48, $0xF;
	(erf) = vpow2.f32 v19;
	(xrf1) =	vsort.dscd.msk.f32 $0xffff, v17, v25;
	v59, v48, _ =	vpop (xrf1)  }
0x105: {  	v16 =	vsel vm0, v52, v16;
	v28 =	vsel vm0, v53, v28;
	v40 =	vbroadcast v62, $0xF;
	(xrf1) =	vsort.dscd.msk.f32 $0xffff, v31, v32;
	v43, _, _ =	vpop (xrf2)  }
0x106: {  	v61 =	vperm.xlane v56, v4;
	v47 =	vperm.xlane v47, v4;
	(xrf1) =	vsort.dscd.msk.f32 $0xffff, v60, v36;
	v60, _, _ =	vpop (xrf0)  }
0x107: {  	v29 =	vsel vm0, v34, v58;
	v58 =	vbroadcast v57, $0xF;
	(erf) = vrcp.f32 v40;
	v31, v17, _ =	vpop (xrf1)  }
0x108: {  	(erf) = vrcp.f32 v45;
	v25 =	vsel vm0, v59, v61;
	v59 =	vsel vm0, v48, v47;
	v48 =	vpop (erf);
	(xrf0) =	vmax.scan.msk.f32 $0xffff, v31  }
0x109: {  	v49 =	vperm.xlane v63, v4;
	v33 =	vperm.xlane v54, v4;
	(xrf1) =	vsort.dscd.msk.f32 $0xffff, v16, v28;
	v50, v63, _ =	vpop (xrf1)  }
0x10a: {  	v28 =	vbroadcast v43, $0xF;
	(erf) = vrcp.f32 v58;
	v55, v54, _ =	vpop (xrf1)  }
0x10b: {  	v21 =	vperm.xlane v50, v4;
	v32, v36, _ =	vpop (xrf1);
	v19 =	vsel vm0, v55, v33;
	v56 =	vsel vm0, v54, v49  }
0x10c: {  	v37 =	vperm.xlane v63, v4;
	v63 =	vperm.xlane v30, v4;
	(xrf1) =	vsort.dscd.msk.f32 $0xffff, v19, v56;
	v34, v16, _ =	vpop (xrf1)  }
0x10d: {  	v61 =	vsel vm0, v51, v46;
	v50 =	vperm.xlane v38, v4;
	v51 =	vpop (erf);
	(erf) = vrcp.f32 v28;
	(xrf1) =	vsort.dscd.msk.f32 $0xffff, v25, v59  }
0x10e: {  	v21 =	vsel vm0, v32, v21;
	v46 =	vsel vm0, v36, v37;
	(xrf1) =	vsort.dscd.msk.f32 $0xffff, v29, v61;
	v62, _, _ =	vpop (xrf0)  }
0x10f: {  	v49 =	vperm.xlane v41, v4;
	v39, v19, _ =	vpop (xrf1);
	(xrf1) =	vsort.dscd.msk.f32 $0xffff, v21, v46;
	v45 =	vbroadcast v62, $0xF  }
0x110: {  	v47 =	vperm.xlane v44, v4;
	v33 =	vbroadcast v60, $0xF;
	v26 =	vsel vm0, v26, v50;
	v37 =	vpop (erf);
	(xrf0) =	vmax.scan.msk.f32 $0xffff, v39  }
0x111: {  	v27 =	vsel vm0, v27, v49;
	v25 =	vsel vm0, v35, v63;
	v35 =	vpop (erf);
	(xrf0) =	vmax.scan.msk.f32 $0xffff, v34;
	v29 =	vsub.f32 v31, v45  }
0x112: {  	v56 =	vsel vm0, v42, v47;
	v53 =	vsub.f32 v18, v33;
	v55, v54, _ =	vpop (xrf1);
	(xrf1) =	vsort.dscd.msk.f32 $0xffff, v26, v27  }
0x113: {  	v52 =	vmul.f32 $1.442695020e+00, v29;
	v31, v32, _ =	vpop (xrf1);
	(xrf1) =	vsort.dscd.msk.f32 $0xffff, v25, v56  }
0x114: {  	v57 =	vmul.f32 $1.442695020e+00, v53;
	v36 =	vpop (erf)  }
0x115: {  	v26, v18, _ =	vpop (xrf1);
	(erf) = vpow2.f32 v52  }
0x116: {  	v33 =	vpop (erf);
	(erf) = vpow2.f32 v57  }
0x117: {  	v59, v58, _ =	vpop (xrf1)  }
0x118: {  	v53, _, _ =	vpop (xrf0)  }
0x119: {  	v57, _, _ =	vpop (xrf0)  }
0x11a: {  	v60, v61, _ =	vpop (xrf1)  }
0x11b: {  	v25 =	vnsel vm0, $0x0, v51;
	v29 =	vperm.xlane v55, v4;
	v62, v44, _ =	vpop (xrf1)  }
0x11c: {  	v28 =	vnsel vm0, $0x0, v48;
	v30 =	vperm.xlane v54, v4;
	(xrf2) =	vadd.scan.msk.f32 $0xffff, v25;
	v63, v45, _ =	vpop (xrf1)  }
0x11d: {  	(xrf2) =	vadd.scan.msk.f32 $0xffff, v28;
	v21 =	vsel vm0, v59, v29;
	v47, v48, _ =	vpop (xrf1)  }
0x11e: {  	(xrf0) =	vmax.scan.msk.f32 $0xffff, v26;
	v27 =	vsel vm0, v58, v30;
	v52 =	vpop (erf)  }
0x11f: {  	(xrf1) =	vsort.dscd.msk.f32 $0xffff, v21, v27;
	v29 =	vnsel vm0, $0x0, v52;
	v54 =	vpop (erf)  }
0x120: {  	v46 =	vbroadcast v53, $0xF;
	v55, v56, _ =	vpop (xrf1);
	(xrf2) =	vadd.scan.msk.f32 $0xffff, v29;
	v27 =	vnsel vm0, $0x0, v54  }
0x121: {  	v30 =	vperm.xlane v55, v4;
	v40 =	vperm.xlane v56, v4;
	(xrf2) =	vadd.scan.msk.f32 $0xffff, v27;
	v58, v21, _ =	vpop (xrf1)  }
0x122: {  	v32 =	vperm.xlane v32, v4;
	v59 =	vbroadcast v57, $0xF;
	(xrf0) =	vmax.scan.msk.f32 $0xffff, v58  }
0x123: {  	v30 =	vsel vm0, v60, v30;
	v40 =	vsel vm0, v61, v40;
	v60 =	vsub.f32 v39, v46  }
0x124: {  	v31 =	vperm.xlane v31, v4;
	v34 =	vsub.f32 v34, v59;
	(xrf1) =	vsort.dscd.msk.f32 $0xffff, v30, v40  }
0x125: {  	v32 =	vsel vm0, v44, v32;
	v44, _, _ =	vpop (xrf0);
	v30 =	vmul.f32 $1.442695020e+00, v60  }
0x126: {  	v31 =	vsel vm0, v62, v31;
	v34 =	vmul.f32 $1.442695020e+00, v34;
	v38 =	vperm.xlane v63, v4;
	v61, _, _ =	vpop (xrf2)  }
0x127: {  	v51 =	vbroadcast v44, $0xF;
	v62, _, _ =	vpop (xrf2);
	(xrf1) =	vsort.dscd.msk.f32 $0xffff, v31, v32;
	(erf) = vpow2.f32 v30  }
0x128: {  	v63 =	vbroadcast v62, $0xF;
	(erf) = vpow2.f32 v34;
	v46, _, _ =	vpop (xrf0)  }
0x129: {  	v39 =	vbroadcast v61, $0xF;
	v31 =	vbroadcast v46, $0xF  }
0x12a: {  	v26 =	vsub.f32 v26, v51;
	v52 =	vperm.xlane v45, v4;
	(erf) = vrcp.f32 v63;
	v49, _, _ =	vpop (xrf2)  }
0x12b: {  	(erf) = vrcp.f32 v39;
	v30 =	vbroadcast v49, $0xF;
	v53, _, _ =	vpop (xrf2);
	v31 =	vsub.f32 v58, v31  }
0x12c: {  	v55 =	vsel vm0, v47, v38;
	v34 =	vsel vm0, v48, v52;
	v54 =	vbroadcast v53, $0xF  }
0x12d: {  	(xrf1) =	vsort.dscd.msk.f32 $0xffff, v55, v34;
	(erf) = vrcp.f32 v30;
	v31 =	vmul.f32 $1.442695020e+00, v31  }
0x12e: {  	v56 =	vmul.f32 $1.442695020e+00, v26;
	(erf) = vrcp.f32 v54  }
0x12f: {  	v57, v26, _ =	vpop (xrf1);
	(erf) = vpow2.f32 v31  }
0x130: {  	[tilespmem:v22+s9+$0x0] =	vst.idx.msk $0xff, v23;
	v58 =	vpop (erf);
	(erf) = vpow2.f32 v56  }
0x131: {  	s14 =	sadd.s32 $0x100, s14;
	[tilespmem:s19+$0x10000] =	vst v6;
	v6 =	vpop (erf)  }
0x132: {  	[tilespmem:s14+$0xFFFFFF80] =	vst v5;
	v59, v22, _ =	vpop (xrf1)  }
0x133: {  	[tilespmem:s14+$0xFFFFFFE0] =	vst v5;
	v40 =	vpop (erf)  }
0x134: {  	[tilespmem:s14+$0xFFFFFFC0] =	vst v5;
	v30 =	vnsel vm0, $0x0, v6;
	v41 =	vpop (erf);
	(xrf0) =	vmax.scan.msk.f32 $0xffff, v59  }
0x135: {  	[tilespmem:s14+$0xFFFFFFD0] =	vst v5;
	v43, v6, _ =	vpop (xrf1);
	(xrf2) =	vadd.scan.msk.f32 $0xffff, v30  }
0x136: {  	[tilespmem:s14+$0xFFFFFF90] =	vst v5;
	v34 =	vnsel vm0, $0x0, v58;
	(xrf0) =	vmax.scan.msk.f32 $0xffff, v57;
	v42 =	vpop (erf)  }
0x137: {  	[tilespmem:s14+$0xFFFFFFF0] =	vst v5;
	(xrf2) =	vadd.scan.msk.f32 $0xffff, v34;
	v44 =	vpop (erf)  }
0x138: {  	[tilespmem:s14+$0xFFFFFFA0] =	vst v5;
	v60 =	vpop (erf)  }
0x139: {  	[tilespmem:s14+$0x20] =	vst v5;
	v61 =	vpop (erf)  }
0x13a: {  	[tilespmem:s14+$0x0] =	vst v5;
	v32 =	vnsel vm0, $0x0, v60;
	v62, _, _ =	vpop (xrf0);
	(xrf0) =	vmax.scan.msk.f32 $0xffff, v43  }
0x13b: {  	[tilespmem:s14+$0x10] =	vst v5;
	v53, v23, _ =	vpop (xrf1);
	(xrf2) =	vadd.scan.msk.f32 $0xffff, v32;
	v31 =	vnsel vm0, $0x0, v61  }
0x13c: {  	[tilespmem:s14+$0x30] =	vst v5;
	v52, _, _ =	vpop (xrf0);
	(xrf2) =	vadd.scan.msk.f32 $0xffff, v31  }
0x13d: {  	s28 =	sadd.s32 $0xFFFFFFC0, s17;
	[tilespmem:s14+$0xFFFFFFB0] =	vst v5;
	v45 =	vbroadcast v62, $0xF;
	(xrf0) =	vmax.scan.msk.f32 $0xffff, v53;
	v47 =	vbroadcast v52, $0xF  }
0x13e: {  	[tilespmem:s14+$0x40] =	vst v5;
	v63 =	vadd.s32 s28, v8  }
0x13f: {  	[tilespmem:s14+$0x50] =	vst v5;
	v55 =	vsub.f32 v59, v45;
	v38 =	vsub.f32 v57, v47  }
0x140: {  	[tilespmem:s14+$0x60] =	vst v5;
	v57, _, _ =	vpop (xrf2)  }
0x141: {  	s29 =	sadd.s32 $0xFFFFFF80, s17;
	[tilespmem:s14+$0x70] =	vst v5;
	s14 =	sadd.s32 $0x100, s14;
	v54 =	vmul.f32 v37, v14;
	v37 =	vmul.f32 $1.442695020e+00, v55;
	v61, _, _ =	vpop (xrf2)  }
0x142: {  	[tilespmem:s14+$0xFFFFFF80] =	vst v5;
	v56 =	vadd.s32 s29, v7;
	v59 =	vmul.f32 v35, v13;
	v60 =	vmul.f32 $1.442695020e+00, v38;
	v62, _, _ =	vpop (xrf0)  }
0x143: {  	[tilespmem:v63+s9+$0x0] =	vst.idx.msk $0xff, v54;
	v63 =	vbroadcast v61, $0xF;
	(erf) = vpow2.f32 v37;
	v38, _, _ =	vpop (xrf0)  }
0x144: {  	[tilespmem:s14+$0xFFFFFFE0] =	vst v5;
	(erf) = vpow2.f32 v60;
	v35 =	vbroadcast v38, $0xF  }
0x145: {  	[tilespmem:s14+$0xFFFFFFC0] =	vst v5;
	v14 =	vbroadcast v57, $0xF;
	(erf) = vrcp.f32 v63;
	v49, _, _ =	vpop (xrf2)  }
0x146: {  	[tilespmem:s14+$0xFFFFFFD0] =	vst v5;
	v52 =	vsub.f32 v53, v35;
	v53 =	vbroadcast v62, $0xF;
	v50 =	vbroadcast v49, $0xF;
	v51, _, _ =	vpop (xrf2)  }
0x147: {  	s31 =	sshra.s32 s17, $0x2;
	[tilespmem:v56+s9+$0x0] =	vst.idx.msk $0xff, v59;
	(erf) = vrcp.f32 v14;
	v14 =	vbroadcast v51, $0xF  }
0x148: {  	[tilespmem:s31+$0xFFE0] =	vst v7;
	v7 =	vmul.f32 $1.442695020e+00, v52;
	v54 =	vsub.f32 v43, v53;
	(erf) = vrcp.f32 v50  }
0x149: {  	[tilespmem:s14+$0xFFFFFF90] =	vst v5;
	(erf) = vrcp.f32 v14  }
0x14a: {  	[tilespmem:s14+$0xFFFFFFF0] =	vst v5;
	(erf) = vpow2.f32 v7;
	v7 =	vmul.f32 $1.442695020e+00, v54  }
0x14b: {  	s30 =	sadd.s32 $0xFFFFFF40, s17;
	[tilespmem:s14+$0xFFFFFFA0] =	vst v5  }
0x14c: {  	[tilespmem:s14+$0x20] =	vst v5;
	v58 =	vadd.s32 s30, v11;
	v55 =	vpop (erf);
	(erf) = vpow2.f32 v7  }
0x14d: {  	[tilespmem:s14+$0x0] =	vst v5  }
0x14e: {  	[tilespmem:s14+$0x10] =	vst v5;
	v7 =	vpop (erf)  }
0x14f: {  	[tilespmem:s14+$0x30] =	vst v5;
	v20 =	vmul.f32 v36, v20;
	v56 =	vpop (erf);
	v7 =	vnsel vm0, $0x0, v7  }
0x150: {  	[tilespmem:s31+$0xFFF0] =	vst v8;
	v8 =	vnsel vm0, $0x0, v55;
	v57 =	vpop (erf);
	(xrf2) =	vadd.scan.msk.f32 $0xffff, v7  }
0x151: {  	[tilespmem:v58+s9+$0x0] =	vst.idx.msk $0xff, v20;
	v58 =	vpop (erf);
	(xrf2) =	vadd.scan.msk.f32 $0xffff, v8  }
0x152: {  	[tilespmem:s14+$0xFFFFFFB0] =	vst v5;
	v14 =	vpop (erf)  }
0x153: {  	[tilespmem:s14+$0x40] =	vst v5;
	v46 =	vadd.s32 s17, v9;
	v59 =	vpop (erf)  }
0x154: {  	s18 =	sadd.s32 $0xFFFFFFC0, s16;
	[tilespmem:s14+$0x50] =	vst v5;
	v20 =	vnsel vm0, $0x0, v59  }
0x155: {  	[tilespmem:s14+$0x60] =	vst v5;
	v60 =	vadd.s32 s18, v10;
	(xrf2) =	vadd.scan.msk.f32 $0xffff, v20;
	v61 =	vpop (erf)  }
0x156: {  	s20 =	sadd.s32 $0xFFFFFF40, s16;
	[tilespmem:s14+$0x70] =	vst v5;
	v47 =	vmul.f32 v33, v24;
	v33 =	vnsel vm0, $0x0, v61  }
0x157: {  	[tilespmem:s31+$0xFFD0] =	vst v11;
	v63 =	vadd.s32 s20, v17;
	(xrf2) =	vadd.scan.msk.f32 $0xffff, v33  }
0x158: {  	s19 =	sadd.s32 $0xFFFFFF80, s16;
	v28 =	vmul.f32 v40, v28;
	[tilespmem:v46+s9+$0x0] =	vst.idx.msk $0xff, v47  }
0x159: {  	[tilespmem:s31+$0x10000] =	vst v9;
	v62 =	vadd.s32 s19, v12  }
0x15a: {  	s21 =	sshra.s32 s16, $0x2;
	v42 =	vmul.f32 v42, v29;
	[tilespmem:v60+s9+$0x0] =	vst.idx.msk $0xff, v28;
	v40, _, _ =	vpop (xrf2)  }
0x15b: {  	s15 =	sadd.s32 $0x100, s15;
	v43 =	vadd.s32 s16, v15;
	[tilespmem:s21+$0xFFF0] =	vst v10;
	v45, _, _ =	vpop (xrf2)  }
0x15c: {  	s22 =	sadd.s32 $0xFFFFFFC0, s15;
	v25 =	vmul.f32 v41, v25;
	[tilespmem:v63+s9+$0x0] =	vst.idx.msk $0xff, v42;
	v46 =	vbroadcast v45, $0xF  }
0x15d: {  	v48 =	vadd.s32 s22, v19;
	[tilespmem:s21+$0xFFD0] =	vst v17;
	v49 =	vbroadcast v40, $0xF  }
0x15e: {  	s23 =	sadd.s32 $0xFFFFFF80, s15;
	v47 =	vmul.f32 v44, v27;
	[tilespmem:v62+s9+$0x0] =	vst.idx.msk $0xff, v25;
	(erf) = vrcp.f32 v46  }
0x15f: {  	s24 =	sadd.s32 $0xFFFFFF40, s15;
	v51 =	vadd.s32 s23, v16;
	[tilespmem:s21+$0xFFE0] =	vst v12;
	v50, _, _ =	vpop (xrf2);
	(erf) = vrcp.f32 v49  }
0x160: {  	v52 =	vadd.s32 s24, v21;
	[tilespmem:v43+s9+$0x0] =	vst.idx.msk $0xff, v47;
	v9 =	vmul.f32 v56, v34;
	v25 =	vbroadcast v50, $0xF  }
0x161: {  	[tilespmem:s21+$0x10000] =	vst v15;
	v11 =	vmul.f32 v57, v30;
	v53, _, _ =	vpop (xrf2)  }
0x162: {  	s25 =	sshra.s32 s15, $0x2;
	[tilespmem:v48+s9+$0x0] =	vst.idx.msk $0xff, v9;
	(erf) = vrcp.f32 v25;
	v54 =	vbroadcast v53, $0xF  }
0x163: {  	s26 =	sadd.s32 $0x100, s15;
	v55 =	vadd.s32 s15, v18;
	v13 =	vmul.f32 v58, v32;
	[tilespmem:s25+$0xFFF0] =	vst v19  }
0x164: {  	s28 =	sadd.s32 $0xFFFFFFC0, s26;
	[tilespmem:v51+s9+$0x0] =	vst.idx.msk $0xff, v11;
	(erf) = vrcp.f32 v54  }
0x165: {  	v56 =	vadd.s32 s28, v22;
	[tilespmem:v52+s9+$0x0] =	vst.idx.msk $0xff, v13  }
0x166: {  	s29 =	sadd.s32 $0xFFFFFF80, s26;
	v57 =	vmul.f32 v14, v31;
	[tilespmem:s25+$0xFFE0] =	vst v16  }
0x167: {  	v59 =	vadd.s32 s29, v26;
	[tilespmem:s25+$0xFFD0] =	vst v21;
	v58 =	vpop (erf)  }
0x168: {  	s30 =	sadd.s32 $0xFFFFFF40, s26;
	[tilespmem:v55+s9+$0x0] =	vst.idx.msk $0xff, v57;
	v8 =	vmul.f32 v58, v8;
	v61 =	vpop (erf)  }
0x169: {  	v60 =	vadd.s32 s30, v23;
	[tilespmem:s25+$0x10000] =	vst v18;
	v7 =	vmul.f32 v61, v7  }
0x16a: {  	s31 =	sshra.s32 s26, $0x2;
	[tilespmem:v56+s9+$0x0] =	vst.idx.msk $0xff, v8  }
0x16b: {  	v63 =	vadd.s32 s26, v6;
	v62 =	vpop (erf);
	[tilespmem:s31+$0xFFF0] =	vst v22  }
0x16c: {  	[tilespmem:v59+s9+$0x0] =	vst.idx.msk $0xff, v7;
	v8 =	vmul.f32 v62, v20  }
0x16d: {  	[tilespmem:s31+$0xFFE0] =	vst v26;
	v7 =	vpop (erf)  }
0x16e: {  	[tilespmem:v60+s9+$0x0] =	vst.idx.msk $0xff, v8;
	v7 =	vmul.f32 v7, v33  }
0x16f: {  	[tilespmem:s31+$0xFFD0] =	vst v23  }
0x170: {  	[tilespmem:v63+s9+$0x0] =	vst.idx.msk $0xff, v7  }
0x171: {  	s13 =	sadd.s32 s4, s13;
	[tilespmem:s31+$0x10000] =	vst v6  }
0x172: {  	[hbm4b:s13+s2] =	stream.linear.scatter [tilespmem:s9], [sflag:$0x1], $0x8000, $0x38;
	[tilespmem:$0x12000] =	vst v63  }
0x173: {  	_ =	swait.ge [sflag:s8], $0x8000  }
0x174: {  	s12 =	sshll.u32 s12, $0x1;
	[sflag:s8] =	ssyncset.done $0x0  }
.Ltmp1:
0x175: {  	s12 =	sadd.s32 s5, s12;
	[sflag:s8] =	ssyncadd.s32 $0xFFFF8000;
	(pc) =	sbr.rel @p0 .LBB2_2-.Ltmp1, $4  }
0x176: {  	[hbm4b:s12+s2] =	stream.linear.scatter [tilespmem:s10], [sflag:$0x1], $0x2000, $0x38;
	[tilespmem:$0x12000] =	vst v63  }
0x177: {  	_ =	swait.ge [sflag:s8], $0x2000  }
0x178: {  	[sflag:s8] =	ssyncset.done $0x0  }
0x179: {  	p1 =	por $0x0, $0x0;
	s12 =	simm.s32 $0x200;
	[sflag:s8] =	ssyncadd.s32 $0xFFFFE000  }
0x17a: {  	s11 =	sadd.s32 $0x1, s11  }
0x17b: {  	p0 =	sne.s32 s11, s7  }
.Ltmp2:
0x17c: {  	_ = 	snop;
	(pc) =	sbr.rel @p0 .LBB2_1-.Ltmp2, $1  }
0x17d: {  	_ =	sdelay $0x3  }
0x17e: {  	_ =	sfence.sel $0x180000  }
0x17f: {  	[bflag:$0x0] =	sbarrier.arrive $0xFFFF  }
0x180: {  	p0 =	sne.s32 s3, $0x0;
	_ =	strace $0x90000047  }
0x181: {  	s0 =	sadd.s32 @!p0 $0x100000, s0;
	[bflag:$0x2] =	sbarrier.arrive $0xFFFF  }
0x182: {  	[sflag:s0] =	ssyncadd.tile.s32 @!p0 $0x1;
	_ =	shalt  }
.Lfunc_end2:
_tile_overlayer_lowered:
.L_overlay_start_2:
0x183: {  	(tag) =	ssettag $0x2  }
0x184: {  	s0 =	rddreg [dreg:$0x0];
	s2 =	stileid.u32  }
0x185: {  	s1 =	rddreg [dreg:$0x1];
	p0 =	sne.s32 s2, $0x0  }
0x186: {  	s3 =	rddreg [dreg:$0x2];
	[bflag:$0x3] =	sbarrier.arrive $0xFFFF;
	s2 =	simm.s32 @!p0 $0x1C01  }
0x187: {  	[timem:s3], [sflag:s2] =	dma.local @!p0 [hbm:s0], s1  }
0x188: {  	s0 =	simm.s32 @!p0 $0x1  }
0x189: {  	_ =	swait.ge @!p0 [sflag:s0], s1  }
0x18a: {  	s1 =	ssub.s32 @!p0 $0x0, s1;
	[sflag:s0] =	ssyncset.done @!p0 $0x0  }
0x18b: {  	[sflag:s0] =	ssyncadd.s32 @!p0 s1  }
0x18c: {  	[bflag:$0x3] =	sbarrier.arrive $0xFFFF  }
0x18d: {  	_ =	shalt  }

</sc_bundles>
